<compile_context>
chip_gen: v7x
topology: tpu7x:2x2x1
jax: 0.10.2.dev20260603
libtpu: 0.0.44.dev20260713+nightly
codegen_flags: <defaults>
</compile_context>

<pallas_src>
import functools

import jax
import jax.numpy as jnp
from jax import lax
from jax.experimental import pallas as pl
from jax.experimental.pallas import tpu as pltpu
from jax.experimental.pallas import tpu_sc as plsc

N = 10000
E = 160000
D = 256
H = 128
WIDTH = 128
DEGW = 16
N_TILES = 16
EDGES_PER_TILE = E // N_TILES
BATCH = 40
N_BATCH = EDGES_PER_TILE // BATCH
PHASES = 2
PB = N_BATCH // PHASES
NSLOT = 5
ROWS_MAIN = 632
ROWS_LAST = N - 15 * ROWS_MAIN


def _sc_segment_sum(t0, t1, srcs, dsts, zeros, zerosd, onesd):
    mesh = plsc.VectorSubcoreMesh(core_axis_name="c", subcore_axis_name="s")

    @functools.partial(
        pl.kernel,
        mesh=mesh,
        out_type=(
            jax.ShapeDtypeStruct((N, WIDTH), jnp.float32),
            jax.ShapeDtypeStruct((N, WIDTH), jnp.float32),
            jax.ShapeDtypeStruct((N, DEGW), jnp.float32),
        ),
        scratch_types=[
            pltpu.VMEM((PB, BATCH), jnp.int32),
            pltpu.VMEM((PB, BATCH), jnp.int32),
            pltpu.VMEM((BATCH, DEGW), jnp.float32),
        ] + [pltpu.VMEM((BATCH, WIDTH), jnp.float32) for _ in range(NSLOT)]
        + [pltpu.VMEM_SHARED((N, WIDTH), jnp.float32),
           pltpu.VMEM_SHARED((N, DEGW), jnp.float32)]
        + [pltpu.SemaphoreType.DMA for _ in range(3 * NSLOT)],
        compiler_params=pltpu.CompilerParams(use_tc_tiling_on_sc=False),
    )
    def k(t0_hbm, t1_hbm, srcs_hbm, dsts_hbm, zeros_hbm, zerosd_hbm,
          onesd_hbm, s0_hbm, s1_hbm, sdeg_hbm, src_v, dst_v, obuf, *rest):
        gbufs = rest[:NSLOT]
        agg_sh = rest[NSLOT]
        deg_sh = rest[NSLOT + 1]
        gsems = rest[NSLOT + 2:NSLOT + 2 + NSLOT]
        ssems = rest[NSLOT + 2 + NSLOT:NSLOT + 2 + 2 * NSLOT]
        dsems = rest[NSLOT + 2 + 2 * NSLOT:]
        c = lax.axis_index("c")
        s = lax.axis_index("s")

        def load_idx(p):
            pltpu.sync_copy(srcs_hbm.at[s, pl.ds(p * PB, PB)], src_v)
            pltpu.sync_copy(dsts_hbm.at[s, pl.ds(p * PB, PB)], dst_v)

        def gather(j, b):
            @pl.when(c == 0)
            def _():
                pltpu.async_copy(t0_hbm.at[src_v.at[j]], gbufs[b], gsems[b])

            @pl.when(c == 1)
            def _():
                pltpu.async_copy(t1_hbm.at[src_v.at[j]], gbufs[b], gsems[b])

        def drain(sem, b):
            pltpu.make_async_copy(t0_hbm.at[pl.ds(0, BATCH)], gbufs[b],
                                  sem).wait()

        def drain_deg(sem):
            pltpu.make_async_copy(onesd_hbm, obuf, sem).wait()

        def scatter(j, b):
            pltpu.async_copy(gbufs[b], agg_sh.at[dst_v.at[j]],
                             ssems[b], add=True)

            @pl.when(c == 0)
            def _():
                pltpu.async_copy(obuf, deg_sh.at[dst_v.at[j]],
                                 dsems[b], add=True)

        def drain_prev(b):
            drain(ssems[(b - 1) % NSLOT], (b - 1) % NSLOT)

            @pl.when(c == 0)
            def _():
                drain_deg(dsems[(b - 1) % NSLOT])

        load_idx(0)
        for b in range(NSLOT - 1):
            gather(b, b)
        pltpu.sync_copy(onesd_hbm, obuf)

        @pl.when(s < 15)
        def _():
            rows = pl.ds(s * ROWS_MAIN, ROWS_MAIN)
            pltpu.sync_copy(zeros_hbm, agg_sh.at[rows])
            pltpu.sync_copy(zerosd_hbm, deg_sh.at[rows])

        @pl.when(s == 15)
        def _():
            rows = pl.ds(15 * ROWS_MAIN, ROWS_LAST)
            pltpu.sync_copy(zeros_hbm.at[pl.ds(0, ROWS_LAST)],
                            agg_sh.at[rows])
            pltpu.sync_copy(zerosd_hbm.at[pl.ds(0, ROWS_LAST)],
                            deg_sh.at[rows])

        plsc.subcore_barrier()

        for p in range(PHASES):
            if p > 0:
                load_idx(p)
                for b in range(NSLOT - 1):
                    gather(b, b)

            def outer(j0, carry):
                for b in range(NSLOT):
                    j = j0 + b
                    drain(gsems[b], b)
                    @pl.when(j > 0)
                    def _():
                        drain_prev(b)

                    @pl.when(j + NSLOT - 1 < PB)
                    def _():
                        gather(j + NSLOT - 1, (b - 1) % NSLOT)

                    scatter(j, b)
                return carry

            lax.fori_loop(0, PB // NSLOT,
                          lambda g, cc: outer(g * NSLOT, cc), 0)
            bt = (PB - 1) % NSLOT
            drain(ssems[bt], bt)

            @pl.when(c == 0)
            def _():
                drain_deg(dsems[bt])

        plsc.subcore_barrier()

        def writeback(src_sh, dst_hbm):
            @pl.when(s < 15)
            def _():
                rows = pl.ds(s * ROWS_MAIN, ROWS_MAIN)
                pltpu.sync_copy(src_sh.at[rows], dst_hbm.at[rows])

            @pl.when(s == 15)
            def _():
                rows = pl.ds(15 * ROWS_MAIN, ROWS_LAST)
                pltpu.sync_copy(src_sh.at[rows], dst_hbm.at[rows])

        @pl.when(c == 0)
        def _():
            writeback(agg_sh, s0_hbm)
            writeback(deg_sh, sdeg_hbm)

        @pl.when(c == 1)
        def _():
            writeback(agg_sh, s1_hbm)

    return k(t0, t1, srcs, dsts, zeros, zerosd, onesd)


def _tc_finish(s0, s1, sdeg, x, w, gamma, beta):

    def body(s0_ref, s1_ref, d_ref, x_ref, w_ref, g_ref, b_ref, o_ref):
        inv = 1.0 / jnp.maximum(d_ref[:, :1], 1.0)
        dims = (((1,), (0,)), ((), ()))
        rst = lax.dot_general(s0_ref[...] * inv, w_ref[:H], dims,
                              preferred_element_type=jnp.float32)
        rst = rst + lax.dot_general(s1_ref[...] * inv, w_ref[H:], dims,
                                    preferred_element_type=jnp.float32)
        rst = rst + x_ref[...]
        mu = jnp.mean(rst, axis=0, keepdims=True)
        var = jnp.mean((rst - mu) ** 2, axis=0, keepdims=True)
        h = (rst - mu) * lax.rsqrt(var + 1e-5) * g_ref[...] + b_ref[...]
        o_ref[...] = jnp.maximum(h, 0.0)

    return pl.pallas_call(
        body,
        out_shape=jax.ShapeDtypeStruct((N, D), jnp.float32),
    )(s0, s1, sdeg, x, w, gamma.reshape(1, D), beta.reshape(1, D))


def kernel(x, edge_index, W_src, gamma, beta):
    src = edge_index[0].astype(jnp.int32)
    dst = edge_index[1].astype(jnp.int32)
    t0 = x[:, :H]
    t1 = x[:, H:]
    srcs = src.reshape(N_TILES, N_BATCH, BATCH)
    dsts = dst.reshape(N_TILES, N_BATCH, BATCH)
    zeros = jnp.zeros((ROWS_MAIN, WIDTH), jnp.float32)
    zerosd = jnp.zeros((ROWS_MAIN, DEGW), jnp.float32)
    onesd = jnp.ones((BATCH, DEGW), jnp.float32)
    s0, s1, sdeg = _sc_segment_sum(t0, t1, srcs, dsts, zeros, zerosd, onesd)
    return _tc_finish(s0, s1, sdeg, x, W_src, gamma, beta)

# --- scband reference (transcript-rebuilt; emitter-appended) ---
"""Pipeline reference for scband-deep-graph-conv-layer-56977036148966 (READ-ONLY COPY).

The authoritative reference and input builder live on the scoring server;
editing this copy changes nothing except your own understanding.
"""

import jax, jax.numpy as jnp
import numpy as np

N_NODES = 10000
N_EDGES = 160000
D_IN = 256
NODES = 256  # num_heads * out_feats = 4 * 64


def setup_inputs(seed: int = 0) -> dict:
    key = jax.random.key(seed)
    k1, k2, k3, k4 = jax.random.split(key, 4)
    x = jax.random.normal(k1, (N_NODES, D_IN), dtype=jnp.float32)
    edge_index = jax.random.randint(k2, (2, N_EDGES), 0, N_NODES, dtype=jnp.int64)
    # fc_src weight (no bias): Linear(inputs=256 -> num_heads*out_feats=256)
    W_src = jax.random.normal(k3, (D_IN, NODES), dtype=jnp.float32) * (1.0 / np.sqrt(D_IN))
    # BatchNorm1d(nodes) affine params
    gamma = jnp.ones((NODES,), dtype=jnp.float32)
    beta = jnp.zeros((NODES,), dtype=jnp.float32)
    return {"x": x, "edge_index": edge_index, "W_src": W_src, "gamma": gamma, "beta": beta}


def reference(x, edge_index, W_src, gamma, beta):
    # GNNConv.forward (non-attention path):
    #   feat_src = fc_src(feat).view(-1, num_heads, out_feats)
    #   update_all(copy_u('el','m'), mean('m','ft'))  -> per-dst-node mean of source messages
    #   residual: res_fc is Identity since in_feats == num_heads*out_feats
    src = edge_index[0]
    dst = edge_index[1]
    N = x.shape[0]
    E = src.shape[0]

    feat_src = x @ W_src  # [N, nodes]; the (heads, out_feats) view does not change elementwise mean
    msg = jnp.take(feat_src, src, axis=0)  # gather: [E, nodes]
    agg = jax.ops.segment_sum(msg, dst, num_segments=N)  # scatter-add
    deg = jax.ops.segment_sum(jnp.ones((E,), dtype=feat_src.dtype), dst, num_segments=N)
    # DGL mean reducer yields 0 for zero in-degree nodes (allow_zero_in_degree=True)
    rst = agg / jnp.maximum(deg, 1.0)[:, None]

    # residual (Identity)
    rst = rst + x

    # reshape(batch_size * node_size, nodes) -- batch_size=1, already [N, nodes]
    h = rst.reshape(N, NODES)

    # BatchNorm1d in training mode: batch statistics over node dimension
    mean = jnp.mean(h, axis=0)
    var = jnp.var(h, axis=0)
    h = (h - mean) / jnp.sqrt(var + 1e-5) * gamma + beta

    # ReLU
    out = jnp.maximum(h, 0.0)
    return out

if __name__ == "__main__":
    import jax
    _d = setup_inputs()
    print(jax.jit(kernel)(*tuple(_d.values())))

</pallas_src>

<mosaic_0001>
#map = affine_map<(d0, d1) -> (0, 0)>
#map1 = affine_map<(d0, d1) -> (0, 0, 0)>
module attributes {stable_mosaic.version = 14 : i64} {
  func.func @k(%arg0: i32, %arg1: i32, %arg2: memref<10000x128xf32, #tpu.memory_space<hbm>>, %arg3: memref<10000x128xf32, #tpu.memory_space<hbm>>, %arg4: memref<16x250x40xi32, #tpu.memory_space<hbm>>, %arg5: memref<16x250x40xi32, #tpu.memory_space<hbm>>, %arg6: memref<632x128xf32, #tpu.memory_space<hbm>>, %arg7: memref<632x16xf32, #tpu.memory_space<hbm>>, %arg8: memref<40x16xf32, #tpu.memory_space<hbm>>, %arg9: memref<10000x128xf32, #tpu.memory_space<hbm>>, %arg10: memref<10000x128xf32, #tpu.memory_space<hbm>>, %arg11: memref<10000x16xf32, #tpu.memory_space<hbm>>, %arg12: memref<125x40xi32, #tpu.memory_space<vmem>>, %arg13: memref<125x40xi32, #tpu.memory_space<vmem>>, %arg14: memref<40x16xf32, #tpu.memory_space<vmem>>, %arg15: memref<40x128xf32, #tpu.memory_space<vmem>>, %arg16: memref<40x128xf32, #tpu.memory_space<vmem>>, %arg17: memref<40x128xf32, #tpu.memory_space<vmem>>, %arg18: memref<40x128xf32, #tpu.memory_space<vmem>>, %arg19: memref<40x128xf32, #tpu.memory_space<vmem>>, %arg20: memref<10000x128xf32, #tpu.memory_space<vmem_shared>>, %arg21: memref<10000x16xf32, #tpu.memory_space<vmem_shared>>, %arg22: memref<!tpu.dma_semaphore, #tpu.memory_space<semaphore_mem>>, %arg23: memref<!tpu.dma_semaphore, #tpu.memory_space<semaphore_mem>>, %arg24: memref<!tpu.dma_semaphore, #tpu.memory_space<semaphore_mem>>, %arg25: memref<!tpu.dma_semaphore, #tpu.memory_space<semaphore_mem>>, %arg26: memref<!tpu.dma_semaphore, #tpu.memory_space<semaphore_mem>>, %arg27: memref<!tpu.dma_semaphore, #tpu.memory_space<semaphore_mem>>, %arg28: memref<!tpu.dma_semaphore, #tpu.memory_space<semaphore_mem>>, %arg29: memref<!tpu.dma_semaphore, #tpu.memory_space<semaphore_mem>>, %arg30: memref<!tpu.dma_semaphore, #tpu.memory_space<semaphore_mem>>, %arg31: memref<!tpu.dma_semaphore, #tpu.memory_space<semaphore_mem>>, %arg32: memref<!tpu.dma_semaphore, #tpu.memory_space<semaphore_mem>>, %arg33: memref<!tpu.dma_semaphore, #tpu.memory_space<semaphore_mem>>, %arg34: memref<!tpu.dma_semaphore, #tpu.memory_space<semaphore_mem>>, %arg35: memref<!tpu.dma_semaphore, #tpu.memory_space<semaphore_mem>>, %arg36: memref<!tpu.dma_semaphore, #tpu.memory_space<semaphore_mem>>) attributes {dimension_semantics = [#tpu.dimension_semantics<core_parallel>, #tpu.dimension_semantics<subcore_parallel>], iteration_bounds = array<i64: 2, 16>, scalar_prefetch = 0 : i64, scratch_operands = 25 : i64, tpu.core_type = #tpu.core_type<sc_vector_subcore>, window_params = [{transform_indices = #map}, {transform_indices = #map}, {transform_indices = #map1}, {transform_indices = #map1}, {transform_indices = #map}, {transform_indices = #map}, {transform_indices = #map}, {transform_indices = #map}, {transform_indices = #map}, {transform_indices = #map}]} {
    "tpu.region"() ({
      %run_scoped3A = tpu.sem_alloc : memref<!tpu.dma_semaphore, #tpu.memory_space<semaphore_mem>>
      %dma_start3A = arith.constant 0 : i32
      %dma_start3A_129 = arith.constant 0 : i32
      %dma_start3A_130 = tpu.memref_slice %arg4[%arg1, %dma_start3A, %dma_start3A_129] : memref<16x250x40xi32, #tpu.memory_space<hbm>> -> memref<1x125x40xi32, #tpu.memory_space<hbm>>
      %dma_start3A_131 = tpu.memref_squeeze %dma_start3A_130 : memref<1x125x40xi32, #tpu.memory_space<hbm>> -> memref<125x40xi32, #tpu.memory_space<hbm>>
      %dma_start3A_132 = arith.constant 0 : i32
      %dma_start3A_133 = arith.constant 0 : i32
      %dma_start3A_134 = tpu.memref_slice %arg4[%arg1, %dma_start3A_132, %dma_start3A_133] : memref<16x250x40xi32, #tpu.memory_space<hbm>> -> memref<1x125x40xi32, #tpu.memory_space<hbm>>
      %dma_start3A_135 = tpu.memref_squeeze %dma_start3A_134 : memref<1x125x40xi32, #tpu.memory_space<hbm>> -> memref<125x40xi32, #tpu.memory_space<hbm>>
      tpu.enqueue_dma source(%dma_start3A_135 : memref<125x40xi32, #tpu.memory_space<hbm>>) target(%arg12 : memref<125x40xi32, #tpu.memory_space<vmem>>) target_semaphore(%run_scoped3A : memref<!tpu.dma_semaphore, #tpu.memory_space<semaphore_mem>>)
      %dma_wait3A_136 = arith.constant 0 : i32
      %dma_wait3A_137 = arith.constant 0 : i32
      %dma_wait3A_138 = tpu.memref_slice %arg4[%arg1, %dma_wait3A_136, %dma_wait3A_137] : memref<16x250x40xi32, #tpu.memory_space<hbm>> -> memref<1x125x40xi32, #tpu.memory_space<hbm>>
      %dma_wait3A_139 = tpu.memref_squeeze %dma_wait3A_138 : memref<1x125x40xi32, #tpu.memory_space<hbm>> -> memref<125x40xi32, #tpu.memory_space<hbm>>
      %dma_wait3A_140 = arith.constant 0 : i32
      %dma_wait3A_141 = arith.constant 0 : i32
      %dma_wait3A_142 = tpu.memref_slice %arg4[%arg1, %dma_wait3A_140, %dma_wait3A_141] : memref<16x250x40xi32, #tpu.memory_space<hbm>> -> memref<1x125x40xi32, #tpu.memory_space<hbm>>
      %dma_wait3A_143 = tpu.memref_squeeze %dma_wait3A_142 : memref<1x125x40xi32, #tpu.memory_space<hbm>> -> memref<125x40xi32, #tpu.memory_space<hbm>>
      tpu.wait_dma2 semaphore(%run_scoped3A : memref<!tpu.dma_semaphore, #tpu.memory_space<semaphore_mem>>) src(%dma_wait3A_143 : memref<125x40xi32, #tpu.memory_space<hbm>>) dst(%arg12 : memref<125x40xi32, #tpu.memory_space<vmem>>)
      tpu.yield
    }) : () -> ()
    "tpu.region"() ({
      %run_scoped3A = tpu.sem_alloc : memref<!tpu.dma_semaphore, #tpu.memory_space<semaphore_mem>>
      %dma_start3A = arith.constant 0 : i32
      %dma_start3A_129 = arith.constant 0 : i32
      %dma_start3A_130 = tpu.memref_slice %arg5[%arg1, %dma_start3A, %dma_start3A_129] : memref<16x250x40xi32, #tpu.memory_space<hbm>> -> memref<1x125x40xi32, #tpu.memory_space<hbm>>
      %dma_start3A_131 = tpu.memref_squeeze %dma_start3A_130 : memref<1x125x40xi32, #tpu.memory_space<hbm>> -> memref<125x40xi32, #tpu.memory_space<hbm>>
      %dma_start3A_132 = arith.constant 0 : i32
      %dma_start3A_133 = arith.constant 0 : i32
      %dma_start3A_134 = tpu.memref_slice %arg5[%arg1, %dma_start3A_132, %dma_start3A_133] : memref<16x250x40xi32, #tpu.memory_space<hbm>> -> memref<1x125x40xi32, #tpu.memory_space<hbm>>
      %dma_start3A_135 = tpu.memref_squeeze %dma_start3A_134 : memref<1x125x40xi32, #tpu.memory_space<hbm>> -> memref<125x40xi32, #tpu.memory_space<hbm>>
      tpu.enqueue_dma source(%dma_start3A_135 : memref<125x40xi32, #tpu.memory_space<hbm>>) target(%arg13 : memref<125x40xi32, #tpu.memory_space<vmem>>) target_semaphore(%run_scoped3A : memref<!tpu.dma_semaphore, #tpu.memory_space<semaphore_mem>>)
      %dma_wait3A_136 = arith.constant 0 : i32
      %dma_wait3A_137 = arith.constant 0 : i32
      %dma_wait3A_138 = tpu.memref_slice %arg5[%arg1, %dma_wait3A_136, %dma_wait3A_137] : memref<16x250x40xi32, #tpu.memory_space<hbm>> -> memref<1x125x40xi32, #tpu.memory_space<hbm>>
      %dma_wait3A_139 = tpu.memref_squeeze %dma_wait3A_138 : memref<1x125x40xi32, #tpu.memory_space<hbm>> -> memref<125x40xi32, #tpu.memory_space<hbm>>
      %dma_wait3A_140 = arith.constant 0 : i32
      %dma_wait3A_141 = arith.constant 0 : i32
      %dma_wait3A_142 = tpu.memref_slice %arg5[%arg1, %dma_wait3A_140, %dma_wait3A_141] : memref<16x250x40xi32, #tpu.memory_space<hbm>> -> memref<1x125x40xi32, #tpu.memory_space<hbm>>
      %dma_wait3A_143 = tpu.memref_squeeze %dma_wait3A_142 : memref<1x125x40xi32, #tpu.memory_space<hbm>> -> memref<125x40xi32, #tpu.memory_space<hbm>>
      tpu.wait_dma2 semaphore(%run_scoped3A : memref<!tpu.dma_semaphore, #tpu.memory_space<semaphore_mem>>) src(%dma_wait3A_143 : memref<125x40xi32, #tpu.memory_space<hbm>>) dst(%arg13 : memref<125x40xi32, #tpu.memory_space<vmem>>)
      tpu.yield
    }) : () -> ()
    %eq3A = arith.constant 0 : i32
    %eq3A_0 = arith.cmpi eq, %arg0, %eq3A : i32
    %convert_element_type3A = arith.extui %eq3A_0 : i1 to i32
    %cond3A = arith.constant 0 : i32
    %cond3A_1 = arith.cmpi ne, %convert_element_type3A, %cond3A : i32
    scf.if %cond3A_1 {
      %dma_start3A = arith.constant 0 : i32
      %dma_start3A_129 = arith.constant 0 : i32
      %dma_start3A_130 = tpu.memref_slice %arg12[%dma_start3A, %dma_start3A_129] : memref<125x40xi32, #tpu.memory_space<vmem>> -> memref<1x40xi32, #tpu.memory_space<vmem>>
      %dma_start3A_131 = tpu.memref_squeeze %dma_start3A_130 : memref<1x40xi32, #tpu.memory_space<vmem>> -> memref<40xi32, #tpu.memory_space<vmem>>
      %dma_start3A_132 = arith.constant 0 : i32
      %dma_start3A_133 = arith.constant 0 : i32
      %dma_start3A_134 = tpu.memref_slice %arg2[%dma_start3A_132, %dma_start3A_133] : memref<10000x128xf32, #tpu.memory_space<hbm>> -> memref<10000x128xf32, #tpu.memory_space<hbm>>
      tpu.enqueue_indirect_dma source(%dma_start3A_134 : memref<10000x128xf32, #tpu.memory_space<hbm>>) target(%arg15 : memref<40x128xf32, #tpu.memory_space<vmem>>) offsets(%dma_start3A_131 : memref<40xi32, #tpu.memory_space<vmem>>) semaphore(%arg22 : memref<!tpu.dma_semaphore, #tpu.memory_space<semaphore_mem>>)
    } else {
    }
    %eq3A_2 = arith.constant 1 : i32
    %eq3A_3 = arith.cmpi eq, %arg0, %eq3A_2 : i32
    %convert_element_type3A_4 = arith.extui %eq3A_3 : i1 to i32
    %cond3A_5 = arith.constant 0 : i32
    %cond3A_6 = arith.cmpi ne, %convert_element_type3A_4, %cond3A_5 : i32
    scf.if %cond3A_6 {
      %dma_start3A = arith.constant 0 : i32
      %dma_start3A_129 = arith.constant 0 : i32
      %dma_start3A_130 = tpu.memref_slice %arg12[%dma_start3A, %dma_start3A_129] : memref<125x40xi32, #tpu.memory_space<vmem>> -> memref<1x40xi32, #tpu.memory_space<vmem>>
      %dma_start3A_131 = tpu.memref_squeeze %dma_start3A_130 : memref<1x40xi32, #tpu.memory_space<vmem>> -> memref<40xi32, #tpu.memory_space<vmem>>
      %dma_start3A_132 = arith.constant 0 : i32
      %dma_start3A_133 = arith.constant 0 : i32
      %dma_start3A_134 = tpu.memref_slice %arg3[%dma_start3A_132, %dma_start3A_133] : memref<10000x128xf32, #tpu.memory_space<hbm>> -> memref<10000x128xf32, #tpu.memory_space<hbm>>
      tpu.enqueue_indirect_dma source(%dma_start3A_134 : memref<10000x128xf32, #tpu.memory_space<hbm>>) target(%arg15 : memref<40x128xf32, #tpu.memory_space<vmem>>) offsets(%dma_start3A_131 : memref<40xi32, #tpu.memory_space<vmem>>) semaphore(%arg22 : memref<!tpu.dma_semaphore, #tpu.memory_space<semaphore_mem>>)
    } else {
    }
    %eq3A_7 = arith.constant 0 : i32
    %eq3A_8 = arith.cmpi eq, %arg0, %eq3A_7 : i32
    %convert_element_type3A_9 = arith.extui %eq3A_8 : i1 to i32
    %cond3A_10 = arith.constant 0 : i32
    %cond3A_11 = arith.cmpi ne, %convert_element_type3A_9, %cond3A_10 : i32
    scf.if %cond3A_11 {
      %dma_start3A = arith.constant 1 : i32
      %dma_start3A_129 = arith.constant 0 : i32
      %dma_start3A_130 = tpu.memref_slice %arg12[%dma_start3A, %dma_start3A_129] : memref<125x40xi32, #tpu.memory_space<vmem>> -> memref<1x40xi32, #tpu.memory_space<vmem>>
      %dma_start3A_131 = tpu.memref_squeeze %dma_start3A_130 : memref<1x40xi32, #tpu.memory_space<vmem>> -> memref<40xi32, #tpu.memory_space<vmem>>
      %dma_start3A_132 = arith.constant 0 : i32
      %dma_start3A_133 = arith.constant 0 : i32
      %dma_start3A_134 = tpu.memref_slice %arg2[%dma_start3A_132, %dma_start3A_133] : memref<10000x128xf32, #tpu.memory_space<hbm>> -> memref<10000x128xf32, #tpu.memory_space<hbm>>
      tpu.enqueue_indirect_dma source(%dma_start3A_134 : memref<10000x128xf32, #tpu.memory_space<hbm>>) target(%arg16 : memref<40x128xf32, #tpu.memory_space<vmem>>) offsets(%dma_start3A_131 : memref<40xi32, #tpu.memory_space<vmem>>) semaphore(%arg23 : memref<!tpu.dma_semaphore, #tpu.memory_space<semaphore_mem>>)
    } else {
    }
    %eq3A_12 = arith.constant 1 : i32
    %eq3A_13 = arith.cmpi eq, %arg0, %eq3A_12 : i32
    %convert_element_type3A_14 = arith.extui %eq3A_13 : i1 to i32
    %cond3A_15 = arith.constant 0 : i32
    %cond3A_16 = arith.cmpi ne, %convert_element_type3A_14, %cond3A_15 : i32
    scf.if %cond3A_16 {
      %dma_start3A = arith.constant 1 : i32
      %dma_start3A_129 = arith.constant 0 : i32
      %dma_start3A_130 = tpu.memref_slice %arg12[%dma_start3A, %dma_start3A_129] : memref<125x40xi32, #tpu.memory_space<vmem>> -> memref<1x40xi32, #tpu.memory_space<vmem>>
      %dma_start3A_131 = tpu.memref_squeeze %dma_start3A_130 : memref<1x40xi32, #tpu.memory_space<vmem>> -> memref<40xi32, #tpu.memory_space<vmem>>
      %dma_start3A_132 = arith.constant 0 : i32
      %dma_start3A_133 = arith.constant 0 : i32
      %dma_start3A_134 = tpu.memref_slice %arg3[%dma_start3A_132, %dma_start3A_133] : memref<10000x128xf32, #tpu.memory_space<hbm>> -> memref<10000x128xf32, #tpu.memory_space<hbm>>
      tpu.enqueue_indirect_dma source(%dma_start3A_134 : memref<10000x128xf32, #tpu.memory_space<hbm>>) target(%arg16 : memref<40x128xf32, #tpu.memory_space<vmem>>) offsets(%dma_start3A_131 : memref<40xi32, #tpu.memory_space<vmem>>) semaphore(%arg23 : memref<!tpu.dma_semaphore, #tpu.memory_space<semaphore_mem>>)
    } else {
    }
    %eq3A_17 = arith.constant 0 : i32
    %eq3A_18 = arith.cmpi eq, %arg0, %eq3A_17 : i32
    %convert_element_type3A_19 = arith.extui %eq3A_18 : i1 to i32
    %cond3A_20 = arith.constant 0 : i32
    %cond3A_21 = arith.cmpi ne, %convert_element_type3A_19, %cond3A_20 : i32
    scf.if %cond3A_21 {
      %dma_start3A = arith.constant 2 : i32
      %dma_start3A_129 = arith.constant 0 : i32
      %dma_start3A_130 = tpu.memref_slice %arg12[%dma_start3A, %dma_start3A_129] : memref<125x40xi32, #tpu.memory_space<vmem>> -> memref<1x40xi32, #tpu.memory_space<vmem>>
      %dma_start3A_131 = tpu.memref_squeeze %dma_start3A_130 : memref<1x40xi32, #tpu.memory_space<vmem>> -> memref<40xi32, #tpu.memory_space<vmem>>
      %dma_start3A_132 = arith.constant 0 : i32
      %dma_start3A_133 = arith.constant 0 : i32
      %dma_start3A_134 = tpu.memref_slice %arg2[%dma_start3A_132, %dma_start3A_133] : memref<10000x128xf32, #tpu.memory_space<hbm>> -> memref<10000x128xf32, #tpu.memory_space<hbm>>
      tpu.enqueue_indirect_dma source(%dma_start3A_134 : memref<10000x128xf32, #tpu.memory_space<hbm>>) target(%arg17 : memref<40x128xf32, #tpu.memory_space<vmem>>) offsets(%dma_start3A_131 : memref<40xi32, #tpu.memory_space<vmem>>) semaphore(%arg24 : memref<!tpu.dma_semaphore, #tpu.memory_space<semaphore_mem>>)
    } else {
    }
    %eq3A_22 = arith.constant 1 : i32
    %eq3A_23 = arith.cmpi eq, %arg0, %eq3A_22 : i32
    %convert_element_type3A_24 = arith.extui %eq3A_23 : i1 to i32
    %cond3A_25 = arith.constant 0 : i32
    %cond3A_26 = arith.cmpi ne, %convert_element_type3A_24, %cond3A_25 : i32
    scf.if %cond3A_26 {
      %dma_start3A = arith.constant 2 : i32
      %dma_start3A_129 = arith.constant 0 : i32
      %dma_start3A_130 = tpu.memref_slice %arg12[%dma_start3A, %dma_start3A_129] : memref<125x40xi32, #tpu.memory_space<vmem>> -> memref<1x40xi32, #tpu.memory_space<vmem>>
      %dma_start3A_131 = tpu.memref_squeeze %dma_start3A_130 : memref<1x40xi32, #tpu.memory_space<vmem>> -> memref<40xi32, #tpu.memory_space<vmem>>
      %dma_start3A_132 = arith.constant 0 : i32
      %dma_start3A_133 = arith.constant 0 : i32
      %dma_start3A_134 = tpu.memref_slice %arg3[%dma_start3A_132, %dma_start3A_133] : memref<10000x128xf32, #tpu.memory_space<hbm>> -> memref<10000x128xf32, #tpu.memory_space<hbm>>
      tpu.enqueue_indirect_dma source(%dma_start3A_134 : memref<10000x128xf32, #tpu.memory_space<hbm>>) target(%arg17 : memref<40x128xf32, #tpu.memory_space<vmem>>) offsets(%dma_start3A_131 : memref<40xi32, #tpu.memory_space<vmem>>) semaphore(%arg24 : memref<!tpu.dma_semaphore, #tpu.memory_space<semaphore_mem>>)
    } else {
    }
    %eq3A_27 = arith.constant 0 : i32
    %eq3A_28 = arith.cmpi eq, %arg0, %eq3A_27 : i32
    %convert_element_type3A_29 = arith.extui %eq3A_28 : i1 to i32
    %cond3A_30 = arith.constant 0 : i32
    %cond3A_31 = arith.cmpi ne, %convert_element_type3A_29, %cond3A_30 : i32
    scf.if %cond3A_31 {
      %dma_start3A = arith.constant 3 : i32
      %dma_start3A_129 = arith.constant 0 : i32
      %dma_start3A_130 = tpu.memref_slice %arg12[%dma_start3A, %dma_start3A_129] : memref<125x40xi32, #tpu.memory_space<vmem>> -> memref<1x40xi32, #tpu.memory_space<vmem>>
      %dma_start3A_131 = tpu.memref_squeeze %dma_start3A_130 : memref<1x40xi32, #tpu.memory_space<vmem>> -> memref<40xi32, #tpu.memory_space<vmem>>
      %dma_start3A_132 = arith.constant 0 : i32
      %dma_start3A_133 = arith.constant 0 : i32
      %dma_start3A_134 = tpu.memref_slice %arg2[%dma_start3A_132, %dma_start3A_133] : memref<10000x128xf32, #tpu.memory_space<hbm>> -> memref<10000x128xf32, #tpu.memory_space<hbm>>
      tpu.enqueue_indirect_dma source(%dma_start3A_134 : memref<10000x128xf32, #tpu.memory_space<hbm>>) target(%arg18 : memref<40x128xf32, #tpu.memory_space<vmem>>) offsets(%dma_start3A_131 : memref<40xi32, #tpu.memory_space<vmem>>) semaphore(%arg25 : memref<!tpu.dma_semaphore, #tpu.memory_space<semaphore_mem>>)
    } else {
    }
    %eq3A_32 = arith.constant 1 : i32
    %eq3A_33 = arith.cmpi eq, %arg0, %eq3A_32 : i32
    %convert_element_type3A_34 = arith.extui %eq3A_33 : i1 to i32
    %cond3A_35 = arith.constant 0 : i32
    %cond3A_36 = arith.cmpi ne, %convert_element_type3A_34, %cond3A_35 : i32
    scf.if %cond3A_36 {
      %dma_start3A = arith.constant 3 : i32
      %dma_start3A_129 = arith.constant 0 : i32
      %dma_start3A_130 = tpu.memref_slice %arg12[%dma_start3A, %dma_start3A_129] : memref<125x40xi32, #tpu.memory_space<vmem>> -> memref<1x40xi32, #tpu.memory_space<vmem>>
      %dma_start3A_131 = tpu.memref_squeeze %dma_start3A_130 : memref<1x40xi32, #tpu.memory_space<vmem>> -> memref<40xi32, #tpu.memory_space<vmem>>
      %dma_start3A_132 = arith.constant 0 : i32
      %dma_start3A_133 = arith.constant 0 : i32
      %dma_start3A_134 = tpu.memref_slice %arg3[%dma_start3A_132, %dma_start3A_133] : memref<10000x128xf32, #tpu.memory_space<hbm>> -> memref<10000x128xf32, #tpu.memory_space<hbm>>
      tpu.enqueue_indirect_dma source(%dma_start3A_134 : memref<10000x128xf32, #tpu.memory_space<hbm>>) target(%arg18 : memref<40x128xf32, #tpu.memory_space<vmem>>) offsets(%dma_start3A_131 : memref<40xi32, #tpu.memory_space<vmem>>) semaphore(%arg25 : memref<!tpu.dma_semaphore, #tpu.memory_space<semaphore_mem>>)
    } else {
    }
    "tpu.region"() ({
      %run_scoped3A = tpu.sem_alloc : memref<!tpu.dma_semaphore, #tpu.memory_space<semaphore_mem>>
      tpu.enqueue_dma source(%arg8 : memref<40x16xf32, #tpu.memory_space<hbm>>) target(%arg14 : memref<40x16xf32, #tpu.memory_space<vmem>>) target_semaphore(%run_scoped3A : memref<!tpu.dma_semaphore, #tpu.memory_space<semaphore_mem>>)
      tpu.wait_dma2 semaphore(%run_scoped3A : memref<!tpu.dma_semaphore, #tpu.memory_space<semaphore_mem>>) src(%arg8 : memref<40x16xf32, #tpu.memory_space<hbm>>) dst(%arg14 : memref<40x16xf32, #tpu.memory_space<vmem>>)
      tpu.yield
    }) : () -> ()
    %lt3A = arith.constant 15 : i32
    %lt3A_37 = arith.cmpi slt, %arg1, %lt3A : i32
    %convert_element_type3A_38 = arith.extui %lt3A_37 : i1 to i32
    %cond3A_39 = arith.constant 0 : i32
    %cond3A_40 = arith.cmpi ne, %convert_element_type3A_38, %cond3A_39 : i32
    scf.if %cond3A_40 {
      %mul3A = arith.constant 632 : i32
      %mul3A_129 = arith.muli %arg1, %mul3A : i32
      "tpu.region"() ({
        %run_scoped3A = tpu.sem_alloc : memref<!tpu.dma_semaphore, #tpu.memory_space<semaphore_mem>>
        %dma_start3A = arith.constant 0 : i32
        %dma_start3A_130 = tpu.memref_slice %arg20[%mul3A_129, %dma_start3A] : memref<10000x128xf32, #tpu.memory_space<vmem_shared>> -> memref<632x128xf32, #tpu.memory_space<vmem_shared>>
        tpu.enqueue_dma source(%arg6 : memref<632x128xf32, #tpu.memory_space<hbm>>) target(%dma_start3A_130 : memref<632x128xf32, #tpu.memory_space<vmem_shared>>) target_semaphore(%run_scoped3A : memref<!tpu.dma_semaphore, #tpu.memory_space<semaphore_mem>>)
        %dma_wait3A_131 = arith.constant 0 : i32
        %dma_wait3A_132 = tpu.memref_slice %arg20[%mul3A_129, %dma_wait3A_131] : memref<10000x128xf32, #tpu.memory_space<vmem_shared>> -> memref<632x128xf32, #tpu.memory_space<vmem_shared>>
        tpu.wait_dma2 semaphore(%run_scoped3A : memref<!tpu.dma_semaphore, #tpu.memory_space<semaphore_mem>>) src(%arg6 : memref<632x128xf32, #tpu.memory_space<hbm>>) dst(%dma_wait3A_132 : memref<632x128xf32, #tpu.memory_space<vmem_shared>>)
        tpu.yield
      }) : () -> ()
      "tpu.region"() ({
        %run_scoped3A = tpu.sem_alloc : memref<!tpu.dma_semaphore, #tpu.memory_space<semaphore_mem>>
        %dma_start3A = arith.constant 0 : i32
        %dma_start3A_130 = tpu.memref_slice %arg21[%mul3A_129, %dma_start3A] : memref<10000x16xf32, #tpu.memory_space<vmem_shared>> -> memref<632x16xf32, #tpu.memory_space<vmem_shared>>
        tpu.enqueue_dma source(%arg7 : memref<632x16xf32, #tpu.memory_space<hbm>>) target(%dma_start3A_130 : memref<632x16xf32, #tpu.memory_space<vmem_shared>>) target_semaphore(%run_scoped3A : memref<!tpu.dma_semaphore, #tpu.memory_space<semaphore_mem>>)
        %dma_wait3A_131 = arith.constant 0 : i32
        %dma_wait3A_132 = tpu.memref_slice %arg21[%mul3A_129, %dma_wait3A_131] : memref<10000x16xf32, #tpu.memory_space<vmem_shared>> -> memref<632x16xf32, #tpu.memory_space<vmem_shared>>
        tpu.wait_dma2 semaphore(%run_scoped3A : memref<!tpu.dma_semaphore, #tpu.memory_space<semaphore_mem>>) src(%arg7 : memref<632x16xf32, #tpu.memory_space<hbm>>) dst(%dma_wait3A_132 : memref<632x16xf32, #tpu.memory_space<vmem_shared>>)
        tpu.yield
      }) : () -> ()
    } else {
    }
    %eq3A_41 = arith.constant 15 : i32
    %eq3A_42 = arith.cmpi eq, %arg1, %eq3A_41 : i32
    %convert_element_type3A_43 = arith.extui %eq3A_42 : i1 to i32
    %cond3A_44 = arith.constant 0 : i32
    %cond3A_45 = arith.cmpi ne, %convert_element_type3A_43, %cond3A_44 : i32
    scf.if %cond3A_45 {
      "tpu.region"() ({
        %run_scoped3A = tpu.sem_alloc : memref<!tpu.dma_semaphore, #tpu.memory_space<semaphore_mem>>
        %dma_start3A = arith.constant 9480 : i32
        %dma_start3A_129 = arith.constant 0 : i32
        %dma_start3A_130 = tpu.memref_slice %arg20[%dma_start3A, %dma_start3A_129] : memref<10000x128xf32, #tpu.memory_space<vmem_shared>> -> memref<520x128xf32, #tpu.memory_space<vmem_shared>>
        %dma_start3A_131 = arith.constant 0 : i32
        %dma_start3A_132 = arith.constant 0 : i32
        %dma_start3A_133 = tpu.memref_slice %arg6[%dma_start3A_131, %dma_start3A_132] : memref<632x128xf32, #tpu.memory_space<hbm>> -> memref<520x128xf32, #tpu.memory_space<hbm>>
        tpu.enqueue_dma source(%dma_start3A_133 : memref<520x128xf32, #tpu.memory_space<hbm>>) target(%dma_start3A_130 : memref<520x128xf32, #tpu.memory_space<vmem_shared>>) target_semaphore(%run_scoped3A : memref<!tpu.dma_semaphore, #tpu.memory_space<semaphore_mem>>)
        %dma_wait3A_134 = arith.constant 9480 : i32
        %dma_wait3A_135 = arith.constant 0 : i32
        %dma_wait3A_136 = tpu.memref_slice %arg20[%dma_wait3A_134, %dma_wait3A_135] : memref<10000x128xf32, #tpu.memory_space<vmem_shared>> -> memref<520x128xf32, #tpu.memory_space<vmem_shared>>
        %dma_wait3A_137 = arith.constant 0 : i32
        %dma_wait3A_138 = arith.constant 0 : i32
        %dma_wait3A_139 = tpu.memref_slice %arg6[%dma_wait3A_137, %dma_wait3A_138] : memref<632x128xf32, #tpu.memory_space<hbm>> -> memref<520x128xf32, #tpu.memory_space<hbm>>
        tpu.wait_dma2 semaphore(%run_scoped3A : memref<!tpu.dma_semaphore, #tpu.memory_space<semaphore_mem>>) src(%dma_wait3A_139 : memref<520x128xf32, #tpu.memory_space<hbm>>) dst(%dma_wait3A_136 : memref<520x128xf32, #tpu.memory_space<vmem_shared>>)
        tpu.yield
      }) : () -> ()
      "tpu.region"() ({
        %run_scoped3A = tpu.sem_alloc : memref<!tpu.dma_semaphore, #tpu.memory_space<semaphore_mem>>
        %dma_start3A = arith.constant 9480 : i32
        %dma_start3A_129 = arith.constant 0 : i32
        %dma_start3A_130 = tpu.memref_slice %arg21[%dma_start3A, %dma_start3A_129] : memref<10000x16xf32, #tpu.memory_space<vmem_shared>> -> memref<520x16xf32, #tpu.memory_space<vmem_shared>>
        %dma_start3A_131 = arith.constant 0 : i32
        %dma_start3A_132 = arith.constant 0 : i32
        %dma_start3A_133 = tpu.memref_slice %arg7[%dma_start3A_131, %dma_start3A_132] : memref<632x16xf32, #tpu.memory_space<hbm>> -> memref<520x16xf32, #tpu.memory_space<hbm>>
        tpu.enqueue_dma source(%dma_start3A_133 : memref<520x16xf32, #tpu.memory_space<hbm>>) target(%dma_start3A_130 : memref<520x16xf32, #tpu.memory_space<vmem_shared>>) target_semaphore(%run_scoped3A : memref<!tpu.dma_semaphore, #tpu.memory_space<semaphore_mem>>)
        %dma_wait3A_134 = arith.constant 9480 : i32
        %dma_wait3A_135 = arith.constant 0 : i32
        %dma_wait3A_136 = tpu.memref_slice %arg21[%dma_wait3A_134, %dma_wait3A_135] : memref<10000x16xf32, #tpu.memory_space<vmem_shared>> -> memref<520x16xf32, #tpu.memory_space<vmem_shared>>
        %dma_wait3A_137 = arith.constant 0 : i32
        %dma_wait3A_138 = arith.constant 0 : i32
        %dma_wait3A_139 = tpu.memref_slice %arg7[%dma_wait3A_137, %dma_wait3A_138] : memref<632x16xf32, #tpu.memory_space<hbm>> -> memref<520x16xf32, #tpu.memory_space<hbm>>
        tpu.wait_dma2 semaphore(%run_scoped3A : memref<!tpu.dma_semaphore, #tpu.memory_space<semaphore_mem>>) src(%dma_wait3A_139 : memref<520x16xf32, #tpu.memory_space<hbm>>) dst(%dma_wait3A_136 : memref<520x16xf32, #tpu.memory_space<vmem_shared>>)
        tpu.yield
      }) : () -> ()
    } else {
    }
    %barrier3A = arith.constant 0 : index
    tpu.barrier barrier_id(%barrier3A)
    %scan3A = arith.constant 0 : i32
    %scan3A_46 = arith.constant 0 : i32
    %scan3A_47 = arith.constant 25 : i32
    %scan3A_48 = arith.addi %scan3A_46, %scan3A_47 : i32
    %scan3A_49 = arith.constant 1 : i32
    scf.for %scan3A_129 = %scan3A_46 to %scan3A_48 step %scan3A_49  : i32 {
      %mul3A = arith.constant 5 : i32
      %mul3A_130 = arith.muli %scan3A_129, %mul3A : i32
      %add3A = arith.constant 0 : i32
      %add3A_131 = arith.addi %mul3A_130, %add3A : i32
      %dma_wait3A_132 = arith.constant 0 : i32
      %dma_wait3A_133 = arith.constant 0 : i32
      %dma_wait3A_134 = tpu.memref_slice %arg2[%dma_wait3A_132, %dma_wait3A_133] : memref<10000x128xf32, #tpu.memory_space<hbm>> -> memref<40x128xf32, #tpu.memory_space<hbm>>
      %dma_wait3A_135 = arith.constant 0 : i32
      %dma_wait3A_136 = arith.constant 0 : i32
      %dma_wait3A_137 = tpu.memref_slice %arg2[%dma_wait3A_135, %dma_wait3A_136] : memref<10000x128xf32, #tpu.memory_space<hbm>> -> memref<40x128xf32, #tpu.memory_space<hbm>>
      tpu.wait_dma2 semaphore(%arg22 : memref<!tpu.dma_semaphore, #tpu.memory_space<semaphore_mem>>) src(%dma_wait3A_137 : memref<40x128xf32, #tpu.memory_space<hbm>>) dst(%arg15 : memref<40x128xf32, #tpu.memory_space<vmem>>)
      %gt3A = arith.constant 0 : i32
      %gt3A_138 = arith.cmpi sgt, %add3A_131, %gt3A : i32
      %convert_element_type3A_139 = arith.extui %gt3A_138 : i1 to i32
      %cond3A_140 = arith.constant 0 : i32
      %cond3A_141 = arith.cmpi ne, %convert_element_type3A_139, %cond3A_140 : i32
      scf.if %cond3A_141 {
        %dma_wait3A_292 = arith.constant 0 : i32
        %dma_wait3A_293 = arith.constant 0 : i32
        %dma_wait3A_294 = tpu.memref_slice %arg2[%dma_wait3A_292, %dma_wait3A_293] : memref<10000x128xf32, #tpu.memory_space<hbm>> -> memref<40x128xf32, #tpu.memory_space<hbm>>
        %dma_wait3A_295 = arith.constant 0 : i32
        %dma_wait3A_296 = arith.constant 0 : i32
        %dma_wait3A_297 = tpu.memref_slice %arg2[%dma_wait3A_295, %dma_wait3A_296] : memref<10000x128xf32, #tpu.memory_space<hbm>> -> memref<40x128xf32, #tpu.memory_space<hbm>>
        tpu.wait_dma2 semaphore(%arg31 : memref<!tpu.dma_semaphore, #tpu.memory_space<semaphore_mem>>) src(%dma_wait3A_297 : memref<40x128xf32, #tpu.memory_space<hbm>>) dst(%arg19 : memref<40x128xf32, #tpu.memory_space<vmem>>)
        %eq3A_298 = arith.constant 0 : i32
        %eq3A_299 = arith.cmpi eq, %arg0, %eq3A_298 : i32
        %convert_element_type3A_300 = arith.extui %eq3A_299 : i1 to i32
        %cond3A_301 = arith.constant 0 : i32
        %cond3A_302 = arith.cmpi ne, %convert_element_type3A_300, %cond3A_301 : i32
        scf.if %cond3A_302 {
          tpu.wait_dma2 semaphore(%arg36 : memref<!tpu.dma_semaphore, #tpu.memory_space<semaphore_mem>>) src(%arg8 : memref<40x16xf32, #tpu.memory_space<hbm>>) dst(%arg14 : memref<40x16xf32, #tpu.memory_space<vmem>>)
        } else {
        }
      } else {
      }
      %add3A_142 = arith.constant 5 : i32
      %add3A_143 = arith.addi %add3A_131, %add3A_142 : i32
      %sub3A = arith.constant 1 : i32
      %sub3A_144 = arith.subi %add3A_143, %sub3A : i32
      %lt3A_145 = arith.constant 125 : i32
      %lt3A_146 = arith.cmpi slt, %sub3A_144, %lt3A_145 : i32
      %convert_element_type3A_147 = arith.extui %lt3A_146 : i1 to i32
      %cond3A_148 = arith.constant 0 : i32
      %cond3A_149 = arith.cmpi ne, %convert_element_type3A_147, %cond3A_148 : i32
      scf.if %cond3A_149 {
        %add3A_292 = arith.constant 5 : i32
        %add3A_293 = arith.addi %add3A_131, %add3A_292 : i32
        %sub3A_294 = arith.constant 1 : i32
        %sub3A_295 = arith.subi %add3A_293, %sub3A_294 : i32
        %eq3A_296 = arith.constant 0 : i32
        %eq3A_297 = arith.cmpi eq, %arg0, %eq3A_296 : i32
        %convert_element_type3A_298 = arith.extui %eq3A_297 : i1 to i32
        %cond3A_299 = arith.constant 0 : i32
        %cond3A_300 = arith.cmpi ne, %convert_element_type3A_298, %cond3A_299 : i32
        scf.if %cond3A_300 {
          %dma_start3A_306 = arith.constant 0 : i32
          %dma_start3A_307 = tpu.memref_slice %arg12[%sub3A_295, %dma_start3A_306] : memref<125x40xi32, #tpu.memory_space<vmem>> -> memref<1x40xi32, #tpu.memory_space<vmem>>
          %dma_start3A_308 = tpu.memref_squeeze %dma_start3A_307 : memref<1x40xi32, #tpu.memory_space<vmem>> -> memref<40xi32, #tpu.memory_space<vmem>>
          %dma_start3A_309 = arith.constant 0 : i32
          %dma_start3A_310 = arith.constant 0 : i32
          %dma_start3A_311 = tpu.memref_slice %arg2[%dma_start3A_309, %dma_start3A_310] : memref<10000x128xf32, #tpu.memory_space<hbm>> -> memref<10000x128xf32, #tpu.memory_space<hbm>>
          tpu.enqueue_indirect_dma source(%dma_start3A_311 : memref<10000x128xf32, #tpu.memory_space<hbm>>) target(%arg19 : memref<40x128xf32, #tpu.memory_space<vmem>>) offsets(%dma_start3A_308 : memref<40xi32, #tpu.memory_space<vmem>>) semaphore(%arg26 : memref<!tpu.dma_semaphore, #tpu.memory_space<semaphore_mem>>)
        } else {
        }
        %eq3A_301 = arith.constant 1 : i32
        %eq3A_302 = arith.cmpi eq, %arg0, %eq3A_301 : i32
        %convert_element_type3A_303 = arith.extui %eq3A_302 : i1 to i32
        %cond3A_304 = arith.constant 0 : i32
        %cond3A_305 = arith.cmpi ne, %convert_element_type3A_303, %cond3A_304 : i32
        scf.if %cond3A_305 {
          %dma_start3A_306 = arith.constant 0 : i32
          %dma_start3A_307 = tpu.memref_slice %arg12[%sub3A_295, %dma_start3A_306] : memref<125x40xi32, #tpu.memory_space<vmem>> -> memref<1x40xi32, #tpu.memory_space<vmem>>
          %dma_start3A_308 = tpu.memref_squeeze %dma_start3A_307 : memref<1x40xi32, #tpu.memory_space<vmem>> -> memref<40xi32, #tpu.memory_space<vmem>>
          %dma_start3A_309 = arith.constant 0 : i32
          %dma_start3A_310 = arith.constant 0 : i32
          %dma_start3A_311 = tpu.memref_slice %arg3[%dma_start3A_309, %dma_start3A_310] : memref<10000x128xf32, #tpu.memory_space<hbm>> -> memref<10000x128xf32, #tpu.memory_space<hbm>>
          tpu.enqueue_indirect_dma source(%dma_start3A_311 : memref<10000x128xf32, #tpu.memory_space<hbm>>) target(%arg19 : memref<40x128xf32, #tpu.memory_space<vmem>>) offsets(%dma_start3A_308 : memref<40xi32, #tpu.memory_space<vmem>>) semaphore(%arg26 : memref<!tpu.dma_semaphore, #tpu.memory_space<semaphore_mem>>)
        } else {
        }
      } else {
      }
      %dma_start3A = arith.constant 0 : i32
      %dma_start3A_150 = tpu.memref_slice %arg13[%add3A_131, %dma_start3A] : memref<125x40xi32, #tpu.memory_space<vmem>> -> memref<1x40xi32, #tpu.memory_space<vmem>>
      %dma_start3A_151 = tpu.memref_squeeze %dma_start3A_150 : memref<1x40xi32, #tpu.memory_space<vmem>> -> memref<40xi32, #tpu.memory_space<vmem>>
      %dma_start3A_152 = arith.constant 0 : i32
      %dma_start3A_153 = arith.constant 0 : i32
      %dma_start3A_154 = tpu.memref_slice %arg20[%dma_start3A_152, %dma_start3A_153] : memref<10000x128xf32, #tpu.memory_space<vmem_shared>> -> memref<10000x128xf32, #tpu.memory_space<vmem_shared>>
      tpu.enqueue_indirect_dma source(%arg15 : memref<40x128xf32, #tpu.memory_space<vmem>>) target(%dma_start3A_154 : memref<10000x128xf32, #tpu.memory_space<vmem_shared>>) offsets(%dma_start3A_151 : memref<40xi32, #tpu.memory_space<vmem>>) semaphore(%arg27 : memref<!tpu.dma_semaphore, #tpu.memory_space<semaphore_mem>>) {add = true}
      %eq3A_155 = arith.constant 0 : i32
      %eq3A_156 = arith.cmpi eq, %arg0, %eq3A_155 : i32
      %convert_element_type3A_157 = arith.extui %eq3A_156 : i1 to i32
      %cond3A_158 = arith.constant 0 : i32
      %cond3A_159 = arith.cmpi ne, %convert_element_type3A_157, %cond3A_158 : i32
      scf.if %cond3A_159 {
        %dma_start3A_292 = arith.constant 0 : i32
        %dma_start3A_293 = tpu.memref_slice %arg13[%add3A_131, %dma_start3A_292] : memref<125x40xi32, #tpu.memory_space<vmem>> -> memref<1x40xi32, #tpu.memory_space<vmem>>
        %dma_start3A_294 = tpu.memref_squeeze %dma_start3A_293 : memref<1x40xi32, #tpu.memory_space<vmem>> -> memref<40xi32, #tpu.memory_space<vmem>>
        %dma_start3A_295 = arith.constant 0 : i32
        %dma_start3A_296 = arith.constant 0 : i32
        %dma_start3A_297 = tpu.memref_slice %arg21[%dma_start3A_295, %dma_start3A_296] : memref<10000x16xf32, #tpu.memory_space<vmem_shared>> -> memref<10000x16xf32, #tpu.memory_space<vmem_shared>>
        tpu.enqueue_indirect_dma source(%arg14 : memref<40x16xf32, #tpu.memory_space<vmem>>) target(%dma_start3A_297 : memref<10000x16xf32, #tpu.memory_space<vmem_shared>>) offsets(%dma_start3A_294 : memref<40xi32, #tpu.memory_space<vmem>>) semaphore(%arg32 : memref<!tpu.dma_semaphore, #tpu.memory_space<semaphore_mem>>) {add = true}
      } else {
      }
      %add3A_160 = arith.constant 1 : i32
      %add3A_161 = arith.addi %mul3A_130, %add3A_160 : i32
      %dma_wait3A_162 = arith.constant 0 : i32
      %dma_wait3A_163 = arith.constant 0 : i32
      %dma_wait3A_164 = tpu.memref_slice %arg2[%dma_wait3A_162, %dma_wait3A_163] : memref<10000x128xf32, #tpu.memory_space<hbm>> -> memref<40x128xf32, #tpu.memory_space<hbm>>
      %dma_wait3A_165 = arith.constant 0 : i32
      %dma_wait3A_166 = arith.constant 0 : i32
      %dma_wait3A_167 = tpu.memref_slice %arg2[%dma_wait3A_165, %dma_wait3A_166] : memref<10000x128xf32, #tpu.memory_space<hbm>> -> memref<40x128xf32, #tpu.memory_space<hbm>>
      tpu.wait_dma2 semaphore(%arg23 : memref<!tpu.dma_semaphore, #tpu.memory_space<semaphore_mem>>) src(%dma_wait3A_167 : memref<40x128xf32, #tpu.memory_space<hbm>>) dst(%arg16 : memref<40x128xf32, #tpu.memory_space<vmem>>)
      %gt3A_168 = arith.constant 0 : i32
      %gt3A_169 = arith.cmpi sgt, %add3A_161, %gt3A_168 : i32
      %convert_element_type3A_170 = arith.extui %gt3A_169 : i1 to i32
      %cond3A_171 = arith.constant 0 : i32
      %cond3A_172 = arith.cmpi ne, %convert_element_type3A_170, %cond3A_171 : i32
      scf.if %cond3A_172 {
        %dma_wait3A_292 = arith.constant 0 : i32
        %dma_wait3A_293 = arith.constant 0 : i32
        %dma_wait3A_294 = tpu.memref_slice %arg2[%dma_wait3A_292, %dma_wait3A_293] : memref<10000x128xf32, #tpu.memory_space<hbm>> -> memref<40x128xf32, #tpu.memory_space<hbm>>
        %dma_wait3A_295 = arith.constant 0 : i32
        %dma_wait3A_296 = arith.constant 0 : i32
        %dma_wait3A_297 = tpu.memref_slice %arg2[%dma_wait3A_295, %dma_wait3A_296] : memref<10000x128xf32, #tpu.memory_space<hbm>> -> memref<40x128xf32, #tpu.memory_space<hbm>>
        tpu.wait_dma2 semaphore(%arg27 : memref<!tpu.dma_semaphore, #tpu.memory_space<semaphore_mem>>) src(%dma_wait3A_297 : memref<40x128xf32, #tpu.memory_space<hbm>>) dst(%arg15 : memref<40x128xf32, #tpu.memory_space<vmem>>)
        %eq3A_298 = arith.constant 0 : i32
        %eq3A_299 = arith.cmpi eq, %arg0, %eq3A_298 : i32
        %convert_element_type3A_300 = arith.extui %eq3A_299 : i1 to i32
        %cond3A_301 = arith.constant 0 : i32
        %cond3A_302 = arith.cmpi ne, %convert_element_type3A_300, %cond3A_301 : i32
        scf.if %cond3A_302 {
          tpu.wait_dma2 semaphore(%arg32 : memref<!tpu.dma_semaphore, #tpu.memory_space<semaphore_mem>>) src(%arg8 : memref<40x16xf32, #tpu.memory_space<hbm>>) dst(%arg14 : memref<40x16xf32, #tpu.memory_space<vmem>>)
        } else {
        }
      } else {
      }
      %add3A_173 = arith.constant 5 : i32
      %add3A_174 = arith.addi %add3A_161, %add3A_173 : i32
      %sub3A_175 = arith.constant 1 : i32
      %sub3A_176 = arith.subi %add3A_174, %sub3A_175 : i32
      %lt3A_177 = arith.constant 125 : i32
      %lt3A_178 = arith.cmpi slt, %sub3A_176, %lt3A_177 : i32
      %convert_element_type3A_179 = arith.extui %lt3A_178 : i1 to i32
      %cond3A_180 = arith.constant 0 : i32
      %cond3A_181 = arith.cmpi ne, %convert_element_type3A_179, %cond3A_180 : i32
      scf.if %cond3A_181 {
        %add3A_292 = arith.constant 5 : i32
        %add3A_293 = arith.addi %add3A_161, %add3A_292 : i32
        %sub3A_294 = arith.constant 1 : i32
        %sub3A_295 = arith.subi %add3A_293, %sub3A_294 : i32
        %eq3A_296 = arith.constant 0 : i32
        %eq3A_297 = arith.cmpi eq, %arg0, %eq3A_296 : i32
        %convert_element_type3A_298 = arith.extui %eq3A_297 : i1 to i32
        %cond3A_299 = arith.constant 0 : i32
        %cond3A_300 = arith.cmpi ne, %convert_element_type3A_298, %cond3A_299 : i32
        scf.if %cond3A_300 {
          %dma_start3A_306 = arith.constant 0 : i32
          %dma_start3A_307 = tpu.memref_slice %arg12[%sub3A_295, %dma_start3A_306] : memref<125x40xi32, #tpu.memory_space<vmem>> -> memref<1x40xi32, #tpu.memory_space<vmem>>
          %dma_start3A_308 = tpu.memref_squeeze %dma_start3A_307 : memref<1x40xi32, #tpu.memory_space<vmem>> -> memref<40xi32, #tpu.memory_space<vmem>>
          %dma_start3A_309 = arith.constant 0 : i32
          %dma_start3A_310 = arith.constant 0 : i32
          %dma_start3A_311 = tpu.memref_slice %arg2[%dma_start3A_309, %dma_start3A_310] : memref<10000x128xf32, #tpu.memory_space<hbm>> -> memref<10000x128xf32, #tpu.memory_space<hbm>>
          tpu.enqueue_indirect_dma source(%dma_start3A_311 : memref<10000x128xf32, #tpu.memory_space<hbm>>) target(%arg15 : memref<40x128xf32, #tpu.memory_space<vmem>>) offsets(%dma_start3A_308 : memref<40xi32, #tpu.memory_space<vmem>>) semaphore(%arg22 : memref<!tpu.dma_semaphore, #tpu.memory_space<semaphore_mem>>)
        } else {
        }
        %eq3A_301 = arith.constant 1 : i32
        %eq3A_302 = arith.cmpi eq, %arg0, %eq3A_301 : i32
        %convert_element_type3A_303 = arith.extui %eq3A_302 : i1 to i32
        %cond3A_304 = arith.constant 0 : i32
        %cond3A_305 = arith.cmpi ne, %convert_element_type3A_303, %cond3A_304 : i32
        scf.if %cond3A_305 {
          %dma_start3A_306 = arith.constant 0 : i32
          %dma_start3A_307 = tpu.memref_slice %arg12[%sub3A_295, %dma_start3A_306] : memref<125x40xi32, #tpu.memory_space<vmem>> -> memref<1x40xi32, #tpu.memory_space<vmem>>
          %dma_start3A_308 = tpu.memref_squeeze %dma_start3A_307 : memref<1x40xi32, #tpu.memory_space<vmem>> -> memref<40xi32, #tpu.memory_space<vmem>>
          %dma_start3A_309 = arith.constant 0 : i32
          %dma_start3A_310 = arith.constant 0 : i32
          %dma_start3A_311 = tpu.memref_slice %arg3[%dma_start3A_309, %dma_start3A_310] : memref<10000x128xf32, #tpu.memory_space<hbm>> -> memref<10000x128xf32, #tpu.memory_space<hbm>>
          tpu.enqueue_indirect_dma source(%dma_start3A_311 : memref<10000x128xf32, #tpu.memory_space<hbm>>) target(%arg15 : memref<40x128xf32, #tpu.memory_space<vmem>>) offsets(%dma_start3A_308 : memref<40xi32, #tpu.memory_space<vmem>>) semaphore(%arg22 : memref<!tpu.dma_semaphore, #tpu.memory_space<semaphore_mem>>)
        } else {
        }
      } else {
      }
      %dma_start3A_182 = arith.constant 0 : i32
      %dma_start3A_183 = tpu.memref_slice %arg13[%add3A_161, %dma_start3A_182] : memref<125x40xi32, #tpu.memory_space<vmem>> -> memref<1x40xi32, #tpu.memory_space<vmem>>
      %dma_start3A_184 = tpu.memref_squeeze %dma_start3A_183 : memref<1x40xi32, #tpu.memory_space<vmem>> -> memref<40xi32, #tpu.memory_space<vmem>>
      %dma_start3A_185 = arith.constant 0 : i32
      %dma_start3A_186 = arith.constant 0 : i32
      %dma_start3A_187 = tpu.memref_slice %arg20[%dma_start3A_185, %dma_start3A_186] : memref<10000x128xf32, #tpu.memory_space<vmem_shared>> -> memref<10000x128xf32, #tpu.memory_space<vmem_shared>>
      tpu.enqueue_indirect_dma source(%arg16 : memref<40x128xf32, #tpu.memory_space<vmem>>) target(%dma_start3A_187 : memref<10000x128xf32, #tpu.memory_space<vmem_shared>>) offsets(%dma_start3A_184 : memref<40xi32, #tpu.memory_space<vmem>>) semaphore(%arg28 : memref<!tpu.dma_semaphore, #tpu.memory_space<semaphore_mem>>) {add = true}
      %eq3A_188 = arith.constant 0 : i32
      %eq3A_189 = arith.cmpi eq, %arg0, %eq3A_188 : i32
      %convert_element_type3A_190 = arith.extui %eq3A_189 : i1 to i32
      %cond3A_191 = arith.constant 0 : i32
      %cond3A_192 = arith.cmpi ne, %convert_element_type3A_190, %cond3A_191 : i32
      scf.if %cond3A_192 {
        %dma_start3A_292 = arith.constant 0 : i32
        %dma_start3A_293 = tpu.memref_slice %arg13[%add3A_161, %dma_start3A_292] : memref<125x40xi32, #tpu.memory_space<vmem>> -> memref<1x40xi32, #tpu.memory_space<vmem>>
        %dma_start3A_294 = tpu.memref_squeeze %dma_start3A_293 : memref<1x40xi32, #tpu.memory_space<vmem>> -> memref<40xi32, #tpu.memory_space<vmem>>
        %dma_start3A_295 = arith.constant 0 : i32
        %dma_start3A_296 = arith.constant 0 : i32
        %dma_start3A_297 = tpu.memref_slice %arg21[%dma_start3A_295, %dma_start3A_296] : memref<10000x16xf32, #tpu.memory_space<vmem_shared>> -> memref<10000x16xf32, #tpu.memory_space<vmem_shared>>
        tpu.enqueue_indirect_dma source(%arg14 : memref<40x16xf32, #tpu.memory_space<vmem>>) target(%dma_start3A_297 : memref<10000x16xf32, #tpu.memory_space<vmem_shared>>) offsets(%dma_start3A_294 : memref<40xi32, #tpu.memory_space<vmem>>) semaphore(%arg33 : memref<!tpu.dma_semaphore, #tpu.memory_space<semaphore_mem>>) {add = true}
      } else {
      }
      %add3A_193 = arith.constant 2 : i32
      %add3A_194 = arith.addi %mul3A_130, %add3A_193 : i32
      %dma_wait3A_195 = arith.constant 0 : i32
      %dma_wait3A_196 = arith.constant 0 : i32
      %dma_wait3A_197 = tpu.memref_slice %arg2[%dma_wait3A_195, %dma_wait3A_196] : memref<10000x128xf32, #tpu.memory_space<hbm>> -> memref<40x128xf32, #tpu.memory_space<hbm>>
      %dma_wait3A_198 = arith.constant 0 : i32
      %dma_wait3A_199 = arith.constant 0 : i32
      %dma_wait3A_200 = tpu.memref_slice %arg2[%dma_wait3A_198, %dma_wait3A_199] : memref<10000x128xf32, #tpu.memory_space<hbm>> -> memref<40x128xf32, #tpu.memory_space<hbm>>
      tpu.wait_dma2 semaphore(%arg24 : memref<!tpu.dma_semaphore, #tpu.memory_space<semaphore_mem>>) src(%dma_wait3A_200 : memref<40x128xf32, #tpu.memory_space<hbm>>) dst(%arg17 : memref<40x128xf32, #tpu.memory_space<vmem>>)
      %gt3A_201 = arith.constant 0 : i32
      %gt3A_202 = arith.cmpi sgt, %add3A_194, %gt3A_201 : i32
      %convert_element_type3A_203 = arith.extui %gt3A_202 : i1 to i32
      %cond3A_204 = arith.constant 0 : i32
      %cond3A_205 = arith.cmpi ne, %convert_element_type3A_203, %cond3A_204 : i32
      scf.if %cond3A_205 {
        %dma_wait3A_292 = arith.constant 0 : i32
        %dma_wait3A_293 = arith.constant 0 : i32
        %dma_wait3A_294 = tpu.memref_slice %arg2[%dma_wait3A_292, %dma_wait3A_293] : memref<10000x128xf32, #tpu.memory_space<hbm>> -> memref<40x128xf32, #tpu.memory_space<hbm>>
        %dma_wait3A_295 = arith.constant 0 : i32
        %dma_wait3A_296 = arith.constant 0 : i32
        %dma_wait3A_297 = tpu.memref_slice %arg2[%dma_wait3A_295, %dma_wait3A_296] : memref<10000x128xf32, #tpu.memory_space<hbm>> -> memref<40x128xf32, #tpu.memory_space<hbm>>
        tpu.wait_dma2 semaphore(%arg28 : memref<!tpu.dma_semaphore, #tpu.memory_space<semaphore_mem>>) src(%dma_wait3A_297 : memref<40x128xf32, #tpu.memory_space<hbm>>) dst(%arg16 : memref<40x128xf32, #tpu.memory_space<vmem>>)
        %eq3A_298 = arith.constant 0 : i32
        %eq3A_299 = arith.cmpi eq, %arg0, %eq3A_298 : i32
        %convert_element_type3A_300 = arith.extui %eq3A_299 : i1 to i32
        %cond3A_301 = arith.constant 0 : i32
        %cond3A_302 = arith.cmpi ne, %convert_element_type3A_300, %cond3A_301 : i32
        scf.if %cond3A_302 {
          tpu.wait_dma2 semaphore(%arg33 : memref<!tpu.dma_semaphore, #tpu.memory_space<semaphore_mem>>) src(%arg8 : memref<40x16xf32, #tpu.memory_space<hbm>>) dst(%arg14 : memref<40x16xf32, #tpu.memory_space<vmem>>)
        } else {
        }
      } else {
      }
      %add3A_206 = arith.constant 5 : i32
      %add3A_207 = arith.addi %add3A_194, %add3A_206 : i32
      %sub3A_208 = arith.constant 1 : i32
      %sub3A_209 = arith.subi %add3A_207, %sub3A_208 : i32
      %lt3A_210 = arith.constant 125 : i32
      %lt3A_211 = arith.cmpi slt, %sub3A_209, %lt3A_210 : i32
      %convert_element_type3A_212 = arith.extui %lt3A_211 : i1 to i32
      %cond3A_213 = arith.constant 0 : i32
      %cond3A_214 = arith.cmpi ne, %convert_element_type3A_212, %cond3A_213 : i32
      scf.if %cond3A_214 {
        %add3A_292 = arith.constant 5 : i32
        %add3A_293 = arith.addi %add3A_194, %add3A_292 : i32
        %sub3A_294 = arith.constant 1 : i32
        %sub3A_295 = arith.subi %add3A_293, %sub3A_294 : i32
        %eq3A_296 = arith.constant 0 : i32
        %eq3A_297 = arith.cmpi eq, %arg0, %eq3A_296 : i32
        %convert_element_type3A_298 = arith.extui %eq3A_297 : i1 to i32
        %cond3A_299 = arith.constant 0 : i32
        %cond3A_300 = arith.cmpi ne, %convert_element_type3A_298, %cond3A_299 : i32
        scf.if %cond3A_300 {
          %dma_start3A_306 = arith.constant 0 : i32
          %dma_start3A_307 = tpu.memref_slice %arg12[%sub3A_295, %dma_start3A_306] : memref<125x40xi32, #tpu.memory_space<vmem>> -> memref<1x40xi32, #tpu.memory_space<vmem>>
          %dma_start3A_308 = tpu.memref_squeeze %dma_start3A_307 : memref<1x40xi32, #tpu.memory_space<vmem>> -> memref<40xi32, #tpu.memory_space<vmem>>
          %dma_start3A_309 = arith.constant 0 : i32
          %dma_start3A_310 = arith.constant 0 : i32
          %dma_start3A_311 = tpu.memref_slice %arg2[%dma_start3A_309, %dma_start3A_310] : memref<10000x128xf32, #tpu.memory_space<hbm>> -> memref<10000x128xf32, #tpu.memory_space<hbm>>
          tpu.enqueue_indirect_dma source(%dma_start3A_311 : memref<10000x128xf32, #tpu.memory_space<hbm>>) target(%arg16 : memref<40x128xf32, #tpu.memory_space<vmem>>) offsets(%dma_start3A_308 : memref<40xi32, #tpu.memory_space<vmem>>) semaphore(%arg23 : memref<!tpu.dma_semaphore, #tpu.memory_space<semaphore_mem>>)
        } else {
        }
        %eq3A_301 = arith.constant 1 : i32
        %eq3A_302 = arith.cmpi eq, %arg0, %eq3A_301 : i32
        %convert_element_type3A_303 = arith.extui %eq3A_302 : i1 to i32
        %cond3A_304 = arith.constant 0 : i32
        %cond3A_305 = arith.cmpi ne, %convert_element_type3A_303, %cond3A_304 : i32
        scf.if %cond3A_305 {
          %dma_start3A_306 = arith.constant 0 : i32
          %dma_start3A_307 = tpu.memref_slice %arg12[%sub3A_295, %dma_start3A_306] : memref<125x40xi32, #tpu.memory_space<vmem>> -> memref<1x40xi32, #tpu.memory_space<vmem>>
          %dma_start3A_308 = tpu.memref_squeeze %dma_start3A_307 : memref<1x40xi32, #tpu.memory_space<vmem>> -> memref<40xi32, #tpu.memory_space<vmem>>
          %dma_start3A_309 = arith.constant 0 : i32
          %dma_start3A_310 = arith.constant 0 : i32
          %dma_start3A_311 = tpu.memref_slice %arg3[%dma_start3A_309, %dma_start3A_310] : memref<10000x128xf32, #tpu.memory_space<hbm>> -> memref<10000x128xf32, #tpu.memory_space<hbm>>
          tpu.enqueue_indirect_dma source(%dma_start3A_311 : memref<10000x128xf32, #tpu.memory_space<hbm>>) target(%arg16 : memref<40x128xf32, #tpu.memory_space<vmem>>) offsets(%dma_start3A_308 : memref<40xi32, #tpu.memory_space<vmem>>) semaphore(%arg23 : memref<!tpu.dma_semaphore, #tpu.memory_space<semaphore_mem>>)
        } else {
        }
      } else {
      }
      %dma_start3A_215 = arith.constant 0 : i32
      %dma_start3A_216 = tpu.memref_slice %arg13[%add3A_194, %dma_start3A_215] : memref<125x40xi32, #tpu.memory_space<vmem>> -> memref<1x40xi32, #tpu.memory_space<vmem>>
      %dma_start3A_217 = tpu.memref_squeeze %dma_start3A_216 : memref<1x40xi32, #tpu.memory_space<vmem>> -> memref<40xi32, #tpu.memory_space<vmem>>
      %dma_start3A_218 = arith.constant 0 : i32
      %dma_start3A_219 = arith.constant 0 : i32
      %dma_start3A_220 = tpu.memref_slice %arg20[%dma_start3A_218, %dma_start3A_219] : memref<10000x128xf32, #tpu.memory_space<vmem_shared>> -> memref<10000x128xf32, #tpu.memory_space<vmem_shared>>
      tpu.enqueue_indirect_dma source(%arg17 : memref<40x128xf32, #tpu.memory_space<vmem>>) target(%dma_start3A_220 : memref<10000x128xf32, #tpu.memory_space<vmem_shared>>) offsets(%dma_start3A_217 : memref<40xi32, #tpu.memory_space<vmem>>) semaphore(%arg29 : memref<!tpu.dma_semaphore, #tpu.memory_space<semaphore_mem>>) {add = true}
      %eq3A_221 = arith.constant 0 : i32
      %eq3A_222 = arith.cmpi eq, %arg0, %eq3A_221 : i32
      %convert_element_type3A_223 = arith.extui %eq3A_222 : i1 to i32
      %cond3A_224 = arith.constant 0 : i32
      %cond3A_225 = arith.cmpi ne, %convert_element_type3A_223, %cond3A_224 : i32
      scf.if %cond3A_225 {
        %dma_start3A_292 = arith.constant 0 : i32
        %dma_start3A_293 = tpu.memref_slice %arg13[%add3A_194, %dma_start3A_292] : memref<125x40xi32, #tpu.memory_space<vmem>> -> memref<1x40xi32, #tpu.memory_space<vmem>>
        %dma_start3A_294 = tpu.memref_squeeze %dma_start3A_293 : memref<1x40xi32, #tpu.memory_space<vmem>> -> memref<40xi32, #tpu.memory_space<vmem>>
        %dma_start3A_295 = arith.constant 0 : i32
        %dma_start3A_296 = arith.constant 0 : i32
        %dma_start3A_297 = tpu.memref_slice %arg21[%dma_start3A_295, %dma_start3A_296] : memref<10000x16xf32, #tpu.memory_space<vmem_shared>> -> memref<10000x16xf32, #tpu.memory_space<vmem_shared>>
        tpu.enqueue_indirect_dma source(%arg14 : memref<40x16xf32, #tpu.memory_space<vmem>>) target(%dma_start3A_297 : memref<10000x16xf32, #tpu.memory_space<vmem_shared>>) offsets(%dma_start3A_294 : memref<40xi32, #tpu.memory_space<vmem>>) semaphore(%arg34 : memref<!tpu.dma_semaphore, #tpu.memory_space<semaphore_mem>>) {add = true}
      } else {
      }
      %add3A_226 = arith.constant 3 : i32
      %add3A_227 = arith.addi %mul3A_130, %add3A_226 : i32
      %dma_wait3A_228 = arith.constant 0 : i32
      %dma_wait3A_229 = arith.constant 0 : i32
      %dma_wait3A_230 = tpu.memref_slice %arg2[%dma_wait3A_228, %dma_wait3A_229] : memref<10000x128xf32, #tpu.memory_space<hbm>> -> memref<40x128xf32, #tpu.memory_space<hbm>>
      %dma_wait3A_231 = arith.constant 0 : i32
      %dma_wait3A_232 = arith.constant 0 : i32
      %dma_wait3A_233 = tpu.memref_slice %arg2[%dma_wait3A_231, %dma_wait3A_232] : memref<10000x128xf32, #tpu.memory_space<hbm>> -> memref<40x128xf32, #tpu.memory_space<hbm>>
      tpu.wait_dma2 semaphore(%arg25 : memref<!tpu.dma_semaphore, #tpu.memory_space<semaphore_mem>>) src(%dma_wait3A_233 : memref<40x128xf32, #tpu.memory_space<hbm>>) dst(%arg18 : memref<40x128xf32, #tpu.memory_space<vmem>>)
      %gt3A_234 = arith.constant 0 : i32
      %gt3A_235 = arith.cmpi sgt, %add3A_227, %gt3A_234 : i32
      %convert_element_type3A_236 = arith.extui %gt3A_235 : i1 to i32
      %cond3A_237 = arith.constant 0 : i32
      %cond3A_238 = arith.cmpi ne, %convert_element_type3A_236, %cond3A_237 : i32
      scf.if %cond3A_238 {
        %dma_wait3A_292 = arith.constant 0 : i32
        %dma_wait3A_293 = arith.constant 0 : i32
        %dma_wait3A_294 = tpu.memref_slice %arg2[%dma_wait3A_292, %dma_wait3A_293] : memref<10000x128xf32, #tpu.memory_space<hbm>> -> memref<40x128xf32, #tpu.memory_space<hbm>>
        %dma_wait3A_295 = arith.constant 0 : i32
        %dma_wait3A_296 = arith.constant 0 : i32
        %dma_wait3A_297 = tpu.memref_slice %arg2[%dma_wait3A_295, %dma_wait3A_296] : memref<10000x128xf32, #tpu.memory_space<hbm>> -> memref<40x128xf32, #tpu.memory_space<hbm>>
        tpu.wait_dma2 semaphore(%arg29 : memref<!tpu.dma_semaphore, #tpu.memory_space<semaphore_mem>>) src(%dma_wait3A_297 : memref<40x128xf32, #tpu.memory_space<hbm>>) dst(%arg17 : memref<40x128xf32, #tpu.memory_space<vmem>>)
        %eq3A_298 = arith.constant 0 : i32
        %eq3A_299 = arith.cmpi eq, %arg0, %eq3A_298 : i32
        %convert_element_type3A_300 = arith.extui %eq3A_299 : i1 to i32
        %cond3A_301 = arith.constant 0 : i32
        %cond3A_302 = arith.cmpi ne, %convert_element_type3A_300, %cond3A_301 : i32
        scf.if %cond3A_302 {
          tpu.wait_dma2 semaphore(%arg34 : memref<!tpu.dma_semaphore, #tpu.memory_space<semaphore_mem>>) src(%arg8 : memref<40x16xf32, #tpu.memory_space<hbm>>) dst(%arg14 : memref<40x16xf32, #tpu.memory_space<vmem>>)
        } else {
        }
      } else {
      }
      %add3A_239 = arith.constant 5 : i32
      %add3A_240 = arith.addi %add3A_227, %add3A_239 : i32
      %sub3A_241 = arith.constant 1 : i32
      %sub3A_242 = arith.subi %add3A_240, %sub3A_241 : i32
      %lt3A_243 = arith.constant 125 : i32
      %lt3A_244 = arith.cmpi slt, %sub3A_242, %lt3A_243 : i32
      %convert_element_type3A_245 = arith.extui %lt3A_244 : i1 to i32
      %cond3A_246 = arith.constant 0 : i32
      %cond3A_247 = arith.cmpi ne, %convert_element_type3A_245, %cond3A_246 : i32
      scf.if %cond3A_247 {
        %add3A_292 = arith.constant 5 : i32
        %add3A_293 = arith.addi %add3A_227, %add3A_292 : i32
        %sub3A_294 = arith.constant 1 : i32
        %sub3A_295 = arith.subi %add3A_293, %sub3A_294 : i32
        %eq3A_296 = arith.constant 0 : i32
        %eq3A_297 = arith.cmpi eq, %arg0, %eq3A_296 : i32
        %convert_element_type3A_298 = arith.extui %eq3A_297 : i1 to i32
        %cond3A_299 = arith.constant 0 : i32
        %cond3A_300 = arith.cmpi ne, %convert_element_type3A_298, %cond3A_299 : i32
        scf.if %cond3A_300 {
          %dma_start3A_306 = arith.constant 0 : i32
          %dma_start3A_307 = tpu.memref_slice %arg12[%sub3A_295, %dma_start3A_306] : memref<125x40xi32, #tpu.memory_space<vmem>> -> memref<1x40xi32, #tpu.memory_space<vmem>>
          %dma_start3A_308 = tpu.memref_squeeze %dma_start3A_307 : memref<1x40xi32, #tpu.memory_space<vmem>> -> memref<40xi32, #tpu.memory_space<vmem>>
          %dma_start3A_309 = arith.constant 0 : i32
          %dma_start3A_310 = arith.constant 0 : i32
          %dma_start3A_311 = tpu.memref_slice %arg2[%dma_start3A_309, %dma_start3A_310] : memref<10000x128xf32, #tpu.memory_space<hbm>> -> memref<10000x128xf32, #tpu.memory_space<hbm>>
          tpu.enqueue_indirect_dma source(%dma_start3A_311 : memref<10000x128xf32, #tpu.memory_space<hbm>>) target(%arg17 : memref<40x128xf32, #tpu.memory_space<vmem>>) offsets(%dma_start3A_308 : memref<40xi32, #tpu.memory_space<vmem>>) semaphore(%arg24 : memref<!tpu.dma_semaphore, #tpu.memory_space<semaphore_mem>>)
        } else {
        }
        %eq3A_301 = arith.constant 1 : i32
        %eq3A_302 = arith.cmpi eq, %arg0, %eq3A_301 : i32
        %convert_element_type3A_303 = arith.extui %eq3A_302 : i1 to i32
        %cond3A_304 = arith.constant 0 : i32
        %cond3A_305 = arith.cmpi ne, %convert_element_type3A_303, %cond3A_304 : i32
        scf.if %cond3A_305 {
          %dma_start3A_306 = arith.constant 0 : i32
          %dma_start3A_307 = tpu.memref_slice %arg12[%sub3A_295, %dma_start3A_306] : memref<125x40xi32, #tpu.memory_space<vmem>> -> memref<1x40xi32, #tpu.memory_space<vmem>>
          %dma_start3A_308 = tpu.memref_squeeze %dma_start3A_307 : memref<1x40xi32, #tpu.memory_space<vmem>> -> memref<40xi32, #tpu.memory_space<vmem>>
          %dma_start3A_309 = arith.constant 0 : i32
          %dma_start3A_310 = arith.constant 0 : i32
          %dma_start3A_311 = tpu.memref_slice %arg3[%dma_start3A_309, %dma_start3A_310] : memref<10000x128xf32, #tpu.memory_space<hbm>> -> memref<10000x128xf32, #tpu.memory_space<hbm>>
          tpu.enqueue_indirect_dma source(%dma_start3A_311 : memref<10000x128xf32, #tpu.memory_space<hbm>>) target(%arg17 : memref<40x128xf32, #tpu.memory_space<vmem>>) offsets(%dma_start3A_308 : memref<40xi32, #tpu.memory_space<vmem>>) semaphore(%arg24 : memref<!tpu.dma_semaphore, #tpu.memory_space<semaphore_mem>>)
        } else {
        }
      } else {
      }
      %dma_start3A_248 = arith.constant 0 : i32
      %dma_start3A_249 = tpu.memref_slice %arg13[%add3A_227, %dma_start3A_248] : memref<125x40xi32, #tpu.memory_space<vmem>> -> memref<1x40xi32, #tpu.memory_space<vmem>>
      %dma_start3A_250 = tpu.memref_squeeze %dma_start3A_249 : memref<1x40xi32, #tpu.memory_space<vmem>> -> memref<40xi32, #tpu.memory_space<vmem>>
      %dma_start3A_251 = arith.constant 0 : i32
      %dma_start3A_252 = arith.constant 0 : i32
      %dma_start3A_253 = tpu.memref_slice %arg20[%dma_start3A_251, %dma_start3A_252] : memref<10000x128xf32, #tpu.memory_space<vmem_shared>> -> memref<10000x128xf32, #tpu.memory_space<vmem_shared>>
      tpu.enqueue_indirect_dma source(%arg18 : memref<40x128xf32, #tpu.memory_space<vmem>>) target(%dma_start3A_253 : memref<10000x128xf32, #tpu.memory_space<vmem_shared>>) offsets(%dma_start3A_250 : memref<40xi32, #tpu.memory_space<vmem>>) semaphore(%arg30 : memref<!tpu.dma_semaphore, #tpu.memory_space<semaphore_mem>>) {add = true}
      %eq3A_254 = arith.constant 0 : i32
      %eq3A_255 = arith.cmpi eq, %arg0, %eq3A_254 : i32
      %convert_element_type3A_256 = arith.extui %eq3A_255 : i1 to i32
      %cond3A_257 = arith.constant 0 : i32
      %cond3A_258 = arith.cmpi ne, %convert_element_type3A_256, %cond3A_257 : i32
      scf.if %cond3A_258 {
        %dma_start3A_292 = arith.constant 0 : i32
        %dma_start3A_293 = tpu.memref_slice %arg13[%add3A_227, %dma_start3A_292] : memref<125x40xi32, #tpu.memory_space<vmem>> -> memref<1x40xi32, #tpu.memory_space<vmem>>
        %dma_start3A_294 = tpu.memref_squeeze %dma_start3A_293 : memref<1x40xi32, #tpu.memory_space<vmem>> -> memref<40xi32, #tpu.memory_space<vmem>>
        %dma_start3A_295 = arith.constant 0 : i32
        %dma_start3A_296 = arith.constant 0 : i32
        %dma_start3A_297 = tpu.memref_slice %arg21[%dma_start3A_295, %dma_start3A_296] : memref<10000x16xf32, #tpu.memory_space<vmem_shared>> -> memref<10000x16xf32, #tpu.memory_space<vmem_shared>>
        tpu.enqueue_indirect_dma source(%arg14 : memref<40x16xf32, #tpu.memory_space<vmem>>) target(%dma_start3A_297 : memref<10000x16xf32, #tpu.memory_space<vmem_shared>>) offsets(%dma_start3A_294 : memref<40xi32, #tpu.memory_space<vmem>>) semaphore(%arg35 : memref<!tpu.dma_semaphore, #tpu.memory_space<semaphore_mem>>) {add = true}
      } else {
      }
      %add3A_259 = arith.constant 4 : i32
      %add3A_260 = arith.addi %mul3A_130, %add3A_259 : i32
      %dma_wait3A_261 = arith.constant 0 : i32
      %dma_wait3A_262 = arith.constant 0 : i32
      %dma_wait3A_263 = tpu.memref_slice %arg2[%dma_wait3A_261, %dma_wait3A_262] : memref<10000x128xf32, #tpu.memory_space<hbm>> -> memref<40x128xf32, #tpu.memory_space<hbm>>
      %dma_wait3A_264 = arith.constant 0 : i32
      %dma_wait3A_265 = arith.constant 0 : i32
      %dma_wait3A_266 = tpu.memref_slice %arg2[%dma_wait3A_264, %dma_wait3A_265] : memref<10000x128xf32, #tpu.memory_space<hbm>> -> memref<40x128xf32, #tpu.memory_space<hbm>>
      tpu.wait_dma2 semaphore(%arg26 : memref<!tpu.dma_semaphore, #tpu.memory_space<semaphore_mem>>) src(%dma_wait3A_266 : memref<40x128xf32, #tpu.memory_space<hbm>>) dst(%arg19 : memref<40x128xf32, #tpu.memory_space<vmem>>)
      %gt3A_267 = arith.constant 0 : i32
      %gt3A_268 = arith.cmpi sgt, %add3A_260, %gt3A_267 : i32
      %convert_element_type3A_269 = arith.extui %gt3A_268 : i1 to i32
      %cond3A_270 = arith.constant 0 : i32
      %cond3A_271 = arith.cmpi ne, %convert_element_type3A_269, %cond3A_270 : i32
      scf.if %cond3A_271 {
        %dma_wait3A_292 = arith.constant 0 : i32
        %dma_wait3A_293 = arith.constant 0 : i32
        %dma_wait3A_294 = tpu.memref_slice %arg2[%dma_wait3A_292, %dma_wait3A_293] : memref<10000x128xf32, #tpu.memory_space<hbm>> -> memref<40x128xf32, #tpu.memory_space<hbm>>
        %dma_wait3A_295 = arith.constant 0 : i32
        %dma_wait3A_296 = arith.constant 0 : i32
        %dma_wait3A_297 = tpu.memref_slice %arg2[%dma_wait3A_295, %dma_wait3A_296] : memref<10000x128xf32, #tpu.memory_space<hbm>> -> memref<40x128xf32, #tpu.memory_space<hbm>>
        tpu.wait_dma2 semaphore(%arg30 : memref<!tpu.dma_semaphore, #tpu.memory_space<semaphore_mem>>) src(%dma_wait3A_297 : memref<40x128xf32, #tpu.memory_space<hbm>>) dst(%arg18 : memref<40x128xf32, #tpu.memory_space<vmem>>)
        %eq3A_298 = arith.constant 0 : i32
        %eq3A_299 = arith.cmpi eq, %arg0, %eq3A_298 : i32
        %convert_element_type3A_300 = arith.extui %eq3A_299 : i1 to i32
        %cond3A_301 = arith.constant 0 : i32
        %cond3A_302 = arith.cmpi ne, %convert_element_type3A_300, %cond3A_301 : i32
        scf.if %cond3A_302 {
          tpu.wait_dma2 semaphore(%arg35 : memref<!tpu.dma_semaphore, #tpu.memory_space<semaphore_mem>>) src(%arg8 : memref<40x16xf32, #tpu.memory_space<hbm>>) dst(%arg14 : memref<40x16xf32, #tpu.memory_space<vmem>>)
        } else {
        }
      } else {
      }
      %add3A_272 = arith.constant 5 : i32
      %add3A_273 = arith.addi %add3A_260, %add3A_272 : i32
      %sub3A_274 = arith.constant 1 : i32
      %sub3A_275 = arith.subi %add3A_273, %sub3A_274 : i32
      %lt3A_276 = arith.constant 125 : i32
      %lt3A_277 = arith.cmpi slt, %sub3A_275, %lt3A_276 : i32
      %convert_element_type3A_278 = arith.extui %lt3A_277 : i1 to i32
      %cond3A_279 = arith.constant 0 : i32
      %cond3A_280 = arith.cmpi ne, %convert_element_type3A_278, %cond3A_279 : i32
      scf.if %cond3A_280 {
        %add3A_292 = arith.constant 5 : i32
        %add3A_293 = arith.addi %add3A_260, %add3A_292 : i32
        %sub3A_294 = arith.constant 1 : i32
        %sub3A_295 = arith.subi %add3A_293, %sub3A_294 : i32
        %eq3A_296 = arith.constant 0 : i32
        %eq3A_297 = arith.cmpi eq, %arg0, %eq3A_296 : i32
        %convert_element_type3A_298 = arith.extui %eq3A_297 : i1 to i32
        %cond3A_299 = arith.constant 0 : i32
        %cond3A_300 = arith.cmpi ne, %convert_element_type3A_298, %cond3A_299 : i32
        scf.if %cond3A_300 {
          %dma_start3A_306 = arith.constant 0 : i32
          %dma_start3A_307 = tpu.memref_slice %arg12[%sub3A_295, %dma_start3A_306] : memref<125x40xi32, #tpu.memory_space<vmem>> -> memref<1x40xi32, #tpu.memory_space<vmem>>
          %dma_start3A_308 = tpu.memref_squeeze %dma_start3A_307 : memref<1x40xi32, #tpu.memory_space<vmem>> -> memref<40xi32, #tpu.memory_space<vmem>>
          %dma_start3A_309 = arith.constant 0 : i32
          %dma_start3A_310 = arith.constant 0 : i32
          %dma_start3A_311 = tpu.memref_slice %arg2[%dma_start3A_309, %dma_start3A_310] : memref<10000x128xf32, #tpu.memory_space<hbm>> -> memref<10000x128xf32, #tpu.memory_space<hbm>>
          tpu.enqueue_indirect_dma source(%dma_start3A_311 : memref<10000x128xf32, #tpu.memory_space<hbm>>) target(%arg18 : memref<40x128xf32, #tpu.memory_space<vmem>>) offsets(%dma_start3A_308 : memref<40xi32, #tpu.memory_space<vmem>>) semaphore(%arg25 : memref<!tpu.dma_semaphore, #tpu.memory_space<semaphore_mem>>)
        } else {
        }
        %eq3A_301 = arith.constant 1 : i32
        %eq3A_302 = arith.cmpi eq, %arg0, %eq3A_301 : i32
        %convert_element_type3A_303 = arith.extui %eq3A_302 : i1 to i32
        %cond3A_304 = arith.constant 0 : i32
        %cond3A_305 = arith.cmpi ne, %convert_element_type3A_303, %cond3A_304 : i32
        scf.if %cond3A_305 {
          %dma_start3A_306 = arith.constant 0 : i32
          %dma_start3A_307 = tpu.memref_slice %arg12[%sub3A_295, %dma_start3A_306] : memref<125x40xi32, #tpu.memory_space<vmem>> -> memref<1x40xi32, #tpu.memory_space<vmem>>
          %dma_start3A_308 = tpu.memref_squeeze %dma_start3A_307 : memref<1x40xi32, #tpu.memory_space<vmem>> -> memref<40xi32, #tpu.memory_space<vmem>>
          %dma_start3A_309 = arith.constant 0 : i32
          %dma_start3A_310 = arith.constant 0 : i32
          %dma_start3A_311 = tpu.memref_slice %arg3[%dma_start3A_309, %dma_start3A_310] : memref<10000x128xf32, #tpu.memory_space<hbm>> -> memref<10000x128xf32, #tpu.memory_space<hbm>>
          tpu.enqueue_indirect_dma source(%dma_start3A_311 : memref<10000x128xf32, #tpu.memory_space<hbm>>) target(%arg18 : memref<40x128xf32, #tpu.memory_space<vmem>>) offsets(%dma_start3A_308 : memref<40xi32, #tpu.memory_space<vmem>>) semaphore(%arg25 : memref<!tpu.dma_semaphore, #tpu.memory_space<semaphore_mem>>)
        } else {
        }
      } else {
      }
      %dma_start3A_281 = arith.constant 0 : i32
      %dma_start3A_282 = tpu.memref_slice %arg13[%add3A_260, %dma_start3A_281] : memref<125x40xi32, #tpu.memory_space<vmem>> -> memref<1x40xi32, #tpu.memory_space<vmem>>
      %dma_start3A_283 = tpu.memref_squeeze %dma_start3A_282 : memref<1x40xi32, #tpu.memory_space<vmem>> -> memref<40xi32, #tpu.memory_space<vmem>>
      %dma_start3A_284 = arith.constant 0 : i32
      %dma_start3A_285 = arith.constant 0 : i32
      %dma_start3A_286 = tpu.memref_slice %arg20[%dma_start3A_284, %dma_start3A_285] : memref<10000x128xf32, #tpu.memory_space<vmem_shared>> -> memref<10000x128xf32, #tpu.memory_space<vmem_shared>>
      tpu.enqueue_indirect_dma source(%arg19 : memref<40x128xf32, #tpu.memory_space<vmem>>) target(%dma_start3A_286 : memref<10000x128xf32, #tpu.memory_space<vmem_shared>>) offsets(%dma_start3A_283 : memref<40xi32, #tpu.memory_space<vmem>>) semaphore(%arg31 : memref<!tpu.dma_semaphore, #tpu.memory_space<semaphore_mem>>) {add = true}
      %eq3A_287 = arith.constant 0 : i32
      %eq3A_288 = arith.cmpi eq, %arg0, %eq3A_287 : i32
      %convert_element_type3A_289 = arith.extui %eq3A_288 : i1 to i32
      %cond3A_290 = arith.constant 0 : i32
      %cond3A_291 = arith.cmpi ne, %convert_element_type3A_289, %cond3A_290 : i32
      scf.if %cond3A_291 {
        %dma_start3A_292 = arith.constant 0 : i32
        %dma_start3A_293 = tpu.memref_slice %arg13[%add3A_260, %dma_start3A_292] : memref<125x40xi32, #tpu.memory_space<vmem>> -> memref<1x40xi32, #tpu.memory_space<vmem>>
        %dma_start3A_294 = tpu.memref_squeeze %dma_start3A_293 : memref<1x40xi32, #tpu.memory_space<vmem>> -> memref<40xi32, #tpu.memory_space<vmem>>
        %dma_start3A_295 = arith.constant 0 : i32
        %dma_start3A_296 = arith.constant 0 : i32
        %dma_start3A_297 = tpu.memref_slice %arg21[%dma_start3A_295, %dma_start3A_296] : memref<10000x16xf32, #tpu.memory_space<vmem_shared>> -> memref<10000x16xf32, #tpu.memory_space<vmem_shared>>
        tpu.enqueue_indirect_dma source(%arg14 : memref<40x16xf32, #tpu.memory_space<vmem>>) target(%dma_start3A_297 : memref<10000x16xf32, #tpu.memory_space<vmem_shared>>) offsets(%dma_start3A_294 : memref<40xi32, #tpu.memory_space<vmem>>) semaphore(%arg36 : memref<!tpu.dma_semaphore, #tpu.memory_space<semaphore_mem>>) {add = true}
      } else {
      }
    }
    %scan3A_50 = arith.constant 25 : i32
    %dma_wait3A = arith.constant 0 : i32
    %dma_wait3A_51 = arith.constant 0 : i32
    %dma_wait3A_52 = tpu.memref_slice %arg2[%dma_wait3A, %dma_wait3A_51] : memref<10000x128xf32, #tpu.memory_space<hbm>> -> memref<40x128xf32, #tpu.memory_space<hbm>>
    %dma_wait3A_53 = arith.constant 0 : i32
    %dma_wait3A_54 = arith.constant 0 : i32
    %dma_wait3A_55 = tpu.memref_slice %arg2[%dma_wait3A_53, %dma_wait3A_54] : memref<10000x128xf32, #tpu.memory_space<hbm>> -> memref<40x128xf32, #tpu.memory_space<hbm>>
    tpu.wait_dma2 semaphore(%arg31 : memref<!tpu.dma_semaphore, #tpu.memory_space<semaphore_mem>>) src(%dma_wait3A_55 : memref<40x128xf32, #tpu.memory_space<hbm>>) dst(%arg19 : memref<40x128xf32, #tpu.memory_space<vmem>>)
    %eq3A_56 = arith.constant 0 : i32
    %eq3A_57 = arith.cmpi eq, %arg0, %eq3A_56 : i32
    %convert_element_type3A_58 = arith.extui %eq3A_57 : i1 to i32
    %cond3A_59 = arith.constant 0 : i32
    %cond3A_60 = arith.cmpi ne, %convert_element_type3A_58, %cond3A_59 : i32
    scf.if %cond3A_60 {
      tpu.wait_dma2 semaphore(%arg36 : memref<!tpu.dma_semaphore, #tpu.memory_space<semaphore_mem>>) src(%arg8 : memref<40x16xf32, #tpu.memory_space<hbm>>) dst(%arg14 : memref<40x16xf32, #tpu.memory_space<vmem>>)
    } else {
    }
    "tpu.region"() ({
      %run_scoped3A = tpu.sem_alloc : memref<!tpu.dma_semaphore, #tpu.memory_space<semaphore_mem>>
      %dma_start3A = arith.constant 125 : i32
      %dma_start3A_129 = arith.constant 0 : i32
      %dma_start3A_130 = tpu.memref_slice %arg4[%arg1, %dma_start3A, %dma_start3A_129] : memref<16x250x40xi32, #tpu.memory_space<hbm>> -> memref<1x125x40xi32, #tpu.memory_space<hbm>>
      %dma_start3A_131 = tpu.memref_squeeze %dma_start3A_130 : memref<1x125x40xi32, #tpu.memory_space<hbm>> -> memref<125x40xi32, #tpu.memory_space<hbm>>
      %dma_start3A_132 = arith.constant 125 : i32
      %dma_start3A_133 = arith.constant 0 : i32
      %dma_start3A_134 = tpu.memref_slice %arg4[%arg1, %dma_start3A_132, %dma_start3A_133] : memref<16x250x40xi32, #tpu.memory_space<hbm>> -> memref<1x125x40xi32, #tpu.memory_space<hbm>>
      %dma_start3A_135 = tpu.memref_squeeze %dma_start3A_134 : memref<1x125x40xi32, #tpu.memory_space<hbm>> -> memref<125x40xi32, #tpu.memory_space<hbm>>
      tpu.enqueue_dma source(%dma_start3A_135 : memref<125x40xi32, #tpu.memory_space<hbm>>) target(%arg12 : memref<125x40xi32, #tpu.memory_space<vmem>>) target_semaphore(%run_scoped3A : memref<!tpu.dma_semaphore, #tpu.memory_space<semaphore_mem>>)
      %dma_wait3A_136 = arith.constant 125 : i32
      %dma_wait3A_137 = arith.constant 0 : i32
      %dma_wait3A_138 = tpu.memref_slice %arg4[%arg1, %dma_wait3A_136, %dma_wait3A_137] : memref<16x250x40xi32, #tpu.memory_space<hbm>> -> memref<1x125x40xi32, #tpu.memory_space<hbm>>
      %dma_wait3A_139 = tpu.memref_squeeze %dma_wait3A_138 : memref<1x125x40xi32, #tpu.memory_space<hbm>> -> memref<125x40xi32, #tpu.memory_space<hbm>>
      %dma_wait3A_140 = arith.constant 125 : i32
      %dma_wait3A_141 = arith.constant 0 : i32
      %dma_wait3A_142 = tpu.memref_slice %arg4[%arg1, %dma_wait3A_140, %dma_wait3A_141] : memref<16x250x40xi32, #tpu.memory_space<hbm>> -> memref<1x125x40xi32, #tpu.memory_space<hbm>>
      %dma_wait3A_143 = tpu.memref_squeeze %dma_wait3A_142 : memref<1x125x40xi32, #tpu.memory_space<hbm>> -> memref<125x40xi32, #tpu.memory_space<hbm>>
      tpu.wait_dma2 semaphore(%run_scoped3A : memref<!tpu.dma_semaphore, #tpu.memory_space<semaphore_mem>>) src(%dma_wait3A_143 : memref<125x40xi32, #tpu.memory_space<hbm>>) dst(%arg12 : memref<125x40xi32, #tpu.memory_space<vmem>>)
      tpu.yield
    }) : () -> ()
    "tpu.region"() ({
      %run_scoped3A = tpu.sem_alloc : memref<!tpu.dma_semaphore, #tpu.memory_space<semaphore_mem>>
      %dma_start3A = arith.constant 125 : i32
      %dma_start3A_129 = arith.constant 0 : i32
      %dma_start3A_130 = tpu.memref_slice %arg5[%arg1, %dma_start3A, %dma_start3A_129] : memref<16x250x40xi32, #tpu.memory_space<hbm>> -> memref<1x125x40xi32, #tpu.memory_space<hbm>>
      %dma_start3A_131 = tpu.memref_squeeze %dma_start3A_130 : memref<1x125x40xi32, #tpu.memory_space<hbm>> -> memref<125x40xi32, #tpu.memory_space<hbm>>
      %dma_start3A_132 = arith.constant 125 : i32
      %dma_start3A_133 = arith.constant 0 : i32
      %dma_start3A_134 = tpu.memref_slice %arg5[%arg1, %dma_start3A_132, %dma_start3A_133] : memref<16x250x40xi32, #tpu.memory_space<hbm>> -> memref<1x125x40xi32, #tpu.memory_space<hbm>>
      %dma_start3A_135 = tpu.memref_squeeze %dma_start3A_134 : memref<1x125x40xi32, #tpu.memory_space<hbm>> -> memref<125x40xi32, #tpu.memory_space<hbm>>
      tpu.enqueue_dma source(%dma_start3A_135 : memref<125x40xi32, #tpu.memory_space<hbm>>) target(%arg13 : memref<125x40xi32, #tpu.memory_space<vmem>>) target_semaphore(%run_scoped3A : memref<!tpu.dma_semaphore, #tpu.memory_space<semaphore_mem>>)
      %dma_wait3A_136 = arith.constant 125 : i32
      %dma_wait3A_137 = arith.constant 0 : i32
      %dma_wait3A_138 = tpu.memref_slice %arg5[%arg1, %dma_wait3A_136, %dma_wait3A_137] : memref<16x250x40xi32, #tpu.memory_space<hbm>> -> memref<1x125x40xi32, #tpu.memory_space<hbm>>
      %dma_wait3A_139 = tpu.memref_squeeze %dma_wait3A_138 : memref<1x125x40xi32, #tpu.memory_space<hbm>> -> memref<125x40xi32, #tpu.memory_space<hbm>>
      %dma_wait3A_140 = arith.constant 125 : i32
      %dma_wait3A_141 = arith.constant 0 : i32
      %dma_wait3A_142 = tpu.memref_slice %arg5[%arg1, %dma_wait3A_140, %dma_wait3A_141] : memref<16x250x40xi32, #tpu.memory_space<hbm>> -> memref<1x125x40xi32, #tpu.memory_space<hbm>>
      %dma_wait3A_143 = tpu.memref_squeeze %dma_wait3A_142 : memref<1x125x40xi32, #tpu.memory_space<hbm>> -> memref<125x40xi32, #tpu.memory_space<hbm>>
      tpu.wait_dma2 semaphore(%run_scoped3A : memref<!tpu.dma_semaphore, #tpu.memory_space<semaphore_mem>>) src(%dma_wait3A_143 : memref<125x40xi32, #tpu.memory_space<hbm>>) dst(%arg13 : memref<125x40xi32, #tpu.memory_space<vmem>>)
      tpu.yield
    }) : () -> ()
    %eq3A_61 = arith.constant 0 : i32
    %eq3A_62 = arith.cmpi eq, %arg0, %eq3A_61 : i32
    %convert_element_type3A_63 = arith.extui %eq3A_62 : i1 to i32
    %cond3A_64 = arith.constant 0 : i32
    %cond3A_65 = arith.cmpi ne, %convert_element_type3A_63, %cond3A_64 : i32
    scf.if %cond3A_65 {
      %dma_start3A = arith.constant 0 : i32
      %dma_start3A_129 = arith.constant 0 : i32
      %dma_start3A_130 = tpu.memref_slice %arg12[%dma_start3A, %dma_start3A_129] : memref<125x40xi32, #tpu.memory_space<vmem>> -> memref<1x40xi32, #tpu.memory_space<vmem>>
      %dma_start3A_131 = tpu.memref_squeeze %dma_start3A_130 : memref<1x40xi32, #tpu.memory_space<vmem>> -> memref<40xi32, #tpu.memory_space<vmem>>
      %dma_start3A_132 = arith.constant 0 : i32
      %dma_start3A_133 = arith.constant 0 : i32
      %dma_start3A_134 = tpu.memref_slice %arg2[%dma_start3A_132, %dma_start3A_133] : memref<10000x128xf32, #tpu.memory_space<hbm>> -> memref<10000x128xf32, #tpu.memory_space<hbm>>
      tpu.enqueue_indirect_dma source(%dma_start3A_134 : memref<10000x128xf32, #tpu.memory_space<hbm>>) target(%arg15 : memref<40x128xf32, #tpu.memory_space<vmem>>) offsets(%dma_start3A_131 : memref<40xi32, #tpu.memory_space<vmem>>) semaphore(%arg22 : memref<!tpu.dma_semaphore, #tpu.memory_space<semaphore_mem>>)
    } else {
    }
    %eq3A_66 = arith.constant 1 : i32
    %eq3A_67 = arith.cmpi eq, %arg0, %eq3A_66 : i32
    %convert_element_type3A_68 = arith.extui %eq3A_67 : i1 to i32
    %cond3A_69 = arith.constant 0 : i32
    %cond3A_70 = arith.cmpi ne, %convert_element_type3A_68, %cond3A_69 : i32
    scf.if %cond3A_70 {
      %dma_start3A = arith.constant 0 : i32
      %dma_start3A_129 = arith.constant 0 : i32
      %dma_start3A_130 = tpu.memref_slice %arg12[%dma_start3A, %dma_start3A_129] : memref<125x40xi32, #tpu.memory_space<vmem>> -> memref<1x40xi32, #tpu.memory_space<vmem>>
      %dma_start3A_131 = tpu.memref_squeeze %dma_start3A_130 : memref<1x40xi32, #tpu.memory_space<vmem>> -> memref<40xi32, #tpu.memory_space<vmem>>
      %dma_start3A_132 = arith.constant 0 : i32
      %dma_start3A_133 = arith.constant 0 : i32
      %dma_start3A_134 = tpu.memref_slice %arg3[%dma_start3A_132, %dma_start3A_133] : memref<10000x128xf32, #tpu.memory_space<hbm>> -> memref<10000x128xf32, #tpu.memory_space<hbm>>
      tpu.enqueue_indirect_dma source(%dma_start3A_134 : memref<10000x128xf32, #tpu.memory_space<hbm>>) target(%arg15 : memref<40x128xf32, #tpu.memory_space<vmem>>) offsets(%dma_start3A_131 : memref<40xi32, #tpu.memory_space<vmem>>) semaphore(%arg22 : memref<!tpu.dma_semaphore, #tpu.memory_space<semaphore_mem>>)
    } else {
    }
    %eq3A_71 = arith.constant 0 : i32
    %eq3A_72 = arith.cmpi eq, %arg0, %eq3A_71 : i32
    %convert_element_type3A_73 = arith.extui %eq3A_72 : i1 to i32
    %cond3A_74 = arith.constant 0 : i32
    %cond3A_75 = arith.cmpi ne, %convert_element_type3A_73, %cond3A_74 : i32
    scf.if %cond3A_75 {
      %dma_start3A = arith.constant 1 : i32
      %dma_start3A_129 = arith.constant 0 : i32
      %dma_start3A_130 = tpu.memref_slice %arg12[%dma_start3A, %dma_start3A_129] : memref<125x40xi32, #tpu.memory_space<vmem>> -> memref<1x40xi32, #tpu.memory_space<vmem>>
      %dma_start3A_131 = tpu.memref_squeeze %dma_start3A_130 : memref<1x40xi32, #tpu.memory_space<vmem>> -> memref<40xi32, #tpu.memory_space<vmem>>
      %dma_start3A_132 = arith.constant 0 : i32
      %dma_start3A_133 = arith.constant 0 : i32
      %dma_start3A_134 = tpu.memref_slice %arg2[%dma_start3A_132, %dma_start3A_133] : memref<10000x128xf32, #tpu.memory_space<hbm>> -> memref<10000x128xf32, #tpu.memory_space<hbm>>
      tpu.enqueue_indirect_dma source(%dma_start3A_134 : memref<10000x128xf32, #tpu.memory_space<hbm>>) target(%arg16 : memref<40x128xf32, #tpu.memory_space<vmem>>) offsets(%dma_start3A_131 : memref<40xi32, #tpu.memory_space<vmem>>) semaphore(%arg23 : memref<!tpu.dma_semaphore, #tpu.memory_space<semaphore_mem>>)
    } else {
    }
    %eq3A_76 = arith.constant 1 : i32
    %eq3A_77 = arith.cmpi eq, %arg0, %eq3A_76 : i32
    %convert_element_type3A_78 = arith.extui %eq3A_77 : i1 to i32
    %cond3A_79 = arith.constant 0 : i32
    %cond3A_80 = arith.cmpi ne, %convert_element_type3A_78, %cond3A_79 : i32
    scf.if %cond3A_80 {
      %dma_start3A = arith.constant 1 : i32
      %dma_start3A_129 = arith.constant 0 : i32
      %dma_start3A_130 = tpu.memref_slice %arg12[%dma_start3A, %dma_start3A_129] : memref<125x40xi32, #tpu.memory_space<vmem>> -> memref<1x40xi32, #tpu.memory_space<vmem>>
      %dma_start3A_131 = tpu.memref_squeeze %dma_start3A_130 : memref<1x40xi32, #tpu.memory_space<vmem>> -> memref<40xi32, #tpu.memory_space<vmem>>
      %dma_start3A_132 = arith.constant 0 : i32
      %dma_start3A_133 = arith.constant 0 : i32
      %dma_start3A_134 = tpu.memref_slice %arg3[%dma_start3A_132, %dma_start3A_133] : memref<10000x128xf32, #tpu.memory_space<hbm>> -> memref<10000x128xf32, #tpu.memory_space<hbm>>
      tpu.enqueue_indirect_dma source(%dma_start3A_134 : memref<10000x128xf32, #tpu.memory_space<hbm>>) target(%arg16 : memref<40x128xf32, #tpu.memory_space<vmem>>) offsets(%dma_start3A_131 : memref<40xi32, #tpu.memory_space<vmem>>) semaphore(%arg23 : memref<!tpu.dma_semaphore, #tpu.memory_space<semaphore_mem>>)
    } else {
    }
    %eq3A_81 = arith.constant 0 : i32
    %eq3A_82 = arith.cmpi eq, %arg0, %eq3A_81 : i32
    %convert_element_type3A_83 = arith.extui %eq3A_82 : i1 to i32
    %cond3A_84 = arith.constant 0 : i32
    %cond3A_85 = arith.cmpi ne, %convert_element_type3A_83, %cond3A_84 : i32
    scf.if %cond3A_85 {
      %dma_start3A = arith.constant 2 : i32
      %dma_start3A_129 = arith.constant 0 : i32
      %dma_start3A_130 = tpu.memref_slice %arg12[%dma_start3A, %dma_start3A_129] : memref<125x40xi32, #tpu.memory_space<vmem>> -> memref<1x40xi32, #tpu.memory_space<vmem>>
      %dma_start3A_131 = tpu.memref_squeeze %dma_start3A_130 : memref<1x40xi32, #tpu.memory_space<vmem>> -> memref<40xi32, #tpu.memory_space<vmem>>
      %dma_start3A_132 = arith.constant 0 : i32
      %dma_start3A_133 = arith.constant 0 : i32
      %dma_start3A_134 = tpu.memref_slice %arg2[%dma_start3A_132, %dma_start3A_133] : memref<10000x128xf32, #tpu.memory_space<hbm>> -> memref<10000x128xf32, #tpu.memory_space<hbm>>
      tpu.enqueue_indirect_dma source(%dma_start3A_134 : memref<10000x128xf32, #tpu.memory_space<hbm>>) target(%arg17 : memref<40x128xf32, #tpu.memory_space<vmem>>) offsets(%dma_start3A_131 : memref<40xi32, #tpu.memory_space<vmem>>) semaphore(%arg24 : memref<!tpu.dma_semaphore, #tpu.memory_space<semaphore_mem>>)
    } else {
    }
    %eq3A_86 = arith.constant 1 : i32
    %eq3A_87 = arith.cmpi eq, %arg0, %eq3A_86 : i32
    %convert_element_type3A_88 = arith.extui %eq3A_87 : i1 to i32
    %cond3A_89 = arith.constant 0 : i32
    %cond3A_90 = arith.cmpi ne, %convert_element_type3A_88, %cond3A_89 : i32
    scf.if %cond3A_90 {
      %dma_start3A = arith.constant 2 : i32
      %dma_start3A_129 = arith.constant 0 : i32
      %dma_start3A_130 = tpu.memref_slice %arg12[%dma_start3A, %dma_start3A_129] : memref<125x40xi32, #tpu.memory_space<vmem>> -> memref<1x40xi32, #tpu.memory_space<vmem>>
      %dma_start3A_131 = tpu.memref_squeeze %dma_start3A_130 : memref<1x40xi32, #tpu.memory_space<vmem>> -> memref<40xi32, #tpu.memory_space<vmem>>
      %dma_start3A_132 = arith.constant 0 : i32
      %dma_start3A_133 = arith.constant 0 : i32
      %dma_start3A_134 = tpu.memref_slice %arg3[%dma_start3A_132, %dma_start3A_133] : memref<10000x128xf32, #tpu.memory_space<hbm>> -> memref<10000x128xf32, #tpu.memory_space<hbm>>
      tpu.enqueue_indirect_dma source(%dma_start3A_134 : memref<10000x128xf32, #tpu.memory_space<hbm>>) target(%arg17 : memref<40x128xf32, #tpu.memory_space<vmem>>) offsets(%dma_start3A_131 : memref<40xi32, #tpu.memory_space<vmem>>) semaphore(%arg24 : memref<!tpu.dma_semaphore, #tpu.memory_space<semaphore_mem>>)
    } else {
    }
    %eq3A_91 = arith.constant 0 : i32
    %eq3A_92 = arith.cmpi eq, %arg0, %eq3A_91 : i32
    %convert_element_type3A_93 = arith.extui %eq3A_92 : i1 to i32
    %cond3A_94 = arith.constant 0 : i32
    %cond3A_95 = arith.cmpi ne, %convert_element_type3A_93, %cond3A_94 : i32
    scf.if %cond3A_95 {
      %dma_start3A = arith.constant 3 : i32
      %dma_start3A_129 = arith.constant 0 : i32
      %dma_start3A_130 = tpu.memref_slice %arg12[%dma_start3A, %dma_start3A_129] : memref<125x40xi32, #tpu.memory_space<vmem>> -> memref<1x40xi32, #tpu.memory_space<vmem>>
      %dma_start3A_131 = tpu.memref_squeeze %dma_start3A_130 : memref<1x40xi32, #tpu.memory_space<vmem>> -> memref<40xi32, #tpu.memory_space<vmem>>
      %dma_start3A_132 = arith.constant 0 : i32
      %dma_start3A_133 = arith.constant 0 : i32
      %dma_start3A_134 = tpu.memref_slice %arg2[%dma_start3A_132, %dma_start3A_133] : memref<10000x128xf32, #tpu.memory_space<hbm>> -> memref<10000x128xf32, #tpu.memory_space<hbm>>
      tpu.enqueue_indirect_dma source(%dma_start3A_134 : memref<10000x128xf32, #tpu.memory_space<hbm>>) target(%arg18 : memref<40x128xf32, #tpu.memory_space<vmem>>) offsets(%dma_start3A_131 : memref<40xi32, #tpu.memory_space<vmem>>) semaphore(%arg25 : memref<!tpu.dma_semaphore, #tpu.memory_space<semaphore_mem>>)
    } else {
    }
    %eq3A_96 = arith.constant 1 : i32
    %eq3A_97 = arith.cmpi eq, %arg0, %eq3A_96 : i32
    %convert_element_type3A_98 = arith.extui %eq3A_97 : i1 to i32
    %cond3A_99 = arith.constant 0 : i32
    %cond3A_100 = arith.cmpi ne, %convert_element_type3A_98, %cond3A_99 : i32
    scf.if %cond3A_100 {
      %dma_start3A = arith.constant 3 : i32
      %dma_start3A_129 = arith.constant 0 : i32
      %dma_start3A_130 = tpu.memref_slice %arg12[%dma_start3A, %dma_start3A_129] : memref<125x40xi32, #tpu.memory_space<vmem>> -> memref<1x40xi32, #tpu.memory_space<vmem>>
      %dma_start3A_131 = tpu.memref_squeeze %dma_start3A_130 : memref<1x40xi32, #tpu.memory_space<vmem>> -> memref<40xi32, #tpu.memory_space<vmem>>
      %dma_start3A_132 = arith.constant 0 : i32
      %dma_start3A_133 = arith.constant 0 : i32
      %dma_start3A_134 = tpu.memref_slice %arg3[%dma_start3A_132, %dma_start3A_133] : memref<10000x128xf32, #tpu.memory_space<hbm>> -> memref<10000x128xf32, #tpu.memory_space<hbm>>
      tpu.enqueue_indirect_dma source(%dma_start3A_134 : memref<10000x128xf32, #tpu.memory_space<hbm>>) target(%arg18 : memref<40x128xf32, #tpu.memory_space<vmem>>) offsets(%dma_start3A_131 : memref<40xi32, #tpu.memory_space<vmem>>) semaphore(%arg25 : memref<!tpu.dma_semaphore, #tpu.memory_space<semaphore_mem>>)
    } else {
    }
    %scan3A_101 = arith.constant 0 : i32
    %scan3A_102 = arith.constant 0 : i32
    %scan3A_103 = arith.constant 25 : i32
    %scan3A_104 = arith.addi %scan3A_102, %scan3A_103 : i32
    %scan3A_105 = arith.constant 1 : i32
    scf.for %scan3A_129 = %scan3A_102 to %scan3A_104 step %scan3A_105  : i32 {
      %mul3A = arith.constant 5 : i32
      %mul3A_130 = arith.muli %scan3A_129, %mul3A : i32
      %add3A = arith.constant 0 : i32
      %add3A_131 = arith.addi %mul3A_130, %add3A : i32
      %dma_wait3A_132 = arith.constant 0 : i32
      %dma_wait3A_133 = arith.constant 0 : i32
      %dma_wait3A_134 = tpu.memref_slice %arg2[%dma_wait3A_132, %dma_wait3A_133] : memref<10000x128xf32, #tpu.memory_space<hbm>> -> memref<40x128xf32, #tpu.memory_space<hbm>>
      %dma_wait3A_135 = arith.constant 0 : i32
      %dma_wait3A_136 = arith.constant 0 : i32
      %dma_wait3A_137 = tpu.memref_slice %arg2[%dma_wait3A_135, %dma_wait3A_136] : memref<10000x128xf32, #tpu.memory_space<hbm>> -> memref<40x128xf32, #tpu.memory_space<hbm>>
      tpu.wait_dma2 semaphore(%arg22 : memref<!tpu.dma_semaphore, #tpu.memory_space<semaphore_mem>>) src(%dma_wait3A_137 : memref<40x128xf32, #tpu.memory_space<hbm>>) dst(%arg15 : memref<40x128xf32, #tpu.memory_space<vmem>>)
      %gt3A = arith.constant 0 : i32
      %gt3A_138 = arith.cmpi sgt, %add3A_131, %gt3A : i32
      %convert_element_type3A_139 = arith.extui %gt3A_138 : i1 to i32
      %cond3A_140 = arith.constant 0 : i32
      %cond3A_141 = arith.cmpi ne, %convert_element_type3A_139, %cond3A_140 : i32
      scf.if %cond3A_141 {
        %dma_wait3A_292 = arith.constant 0 : i32
        %dma_wait3A_293 = arith.constant 0 : i32
        %dma_wait3A_294 = tpu.memref_slice %arg2[%dma_wait3A_292, %dma_wait3A_293] : memref<10000x128xf32, #tpu.memory_space<hbm>> -> memref<40x128xf32, #tpu.memory_space<hbm>>
        %dma_wait3A_295 = arith.constant 0 : i32
        %dma_wait3A_296 = arith.constant 0 : i32
        %dma_wait3A_297 = tpu.memref_slice %arg2[%dma_wait3A_295, %dma_wait3A_296] : memref<10000x128xf32, #tpu.memory_space<hbm>> -> memref<40x128xf32, #tpu.memory_space<hbm>>
        tpu.wait_dma2 semaphore(%arg31 : memref<!tpu.dma_semaphore, #tpu.memory_space<semaphore_mem>>) src(%dma_wait3A_297 : memref<40x128xf32, #tpu.memory_space<hbm>>) dst(%arg19 : memref<40x128xf32, #tpu.memory_space<vmem>>)
        %eq3A_298 = arith.constant 0 : i32
        %eq3A_299 = arith.cmpi eq, %arg0, %eq3A_298 : i32
        %convert_element_type3A_300 = arith.extui %eq3A_299 : i1 to i32
        %cond3A_301 = arith.constant 0 : i32
        %cond3A_302 = arith.cmpi ne, %convert_element_type3A_300, %cond3A_301 : i32
        scf.if %cond3A_302 {
          tpu.wait_dma2 semaphore(%arg36 : memref<!tpu.dma_semaphore, #tpu.memory_space<semaphore_mem>>) src(%arg8 : memref<40x16xf32, #tpu.memory_space<hbm>>) dst(%arg14 : memref<40x16xf32, #tpu.memory_space<vmem>>)
        } else {
        }
      } else {
      }
      %add3A_142 = arith.constant 5 : i32
      %add3A_143 = arith.addi %add3A_131, %add3A_142 : i32
      %sub3A = arith.constant 1 : i32
      %sub3A_144 = arith.subi %add3A_143, %sub3A : i32
      %lt3A_145 = arith.constant 125 : i32
      %lt3A_146 = arith.cmpi slt, %sub3A_144, %lt3A_145 : i32
      %convert_element_type3A_147 = arith.extui %lt3A_146 : i1 to i32
      %cond3A_148 = arith.constant 0 : i32
      %cond3A_149 = arith.cmpi ne, %convert_element_type3A_147, %cond3A_148 : i32
      scf.if %cond3A_149 {
        %add3A_292 = arith.constant 5 : i32
        %add3A_293 = arith.addi %add3A_131, %add3A_292 : i32
        %sub3A_294 = arith.constant 1 : i32
        %sub3A_295 = arith.subi %add3A_293, %sub3A_294 : i32
        %eq3A_296 = arith.constant 0 : i32
        %eq3A_297 = arith.cmpi eq, %arg0, %eq3A_296 : i32
        %convert_element_type3A_298 = arith.extui %eq3A_297 : i1 to i32
        %cond3A_299 = arith.constant 0 : i32
        %cond3A_300 = arith.cmpi ne, %convert_element_type3A_298, %cond3A_299 : i32
        scf.if %cond3A_300 {
          %dma_start3A_306 = arith.constant 0 : i32
          %dma_start3A_307 = tpu.memref_slice %arg12[%sub3A_295, %dma_start3A_306] : memref<125x40xi32, #tpu.memory_space<vmem>> -> memref<1x40xi32, #tpu.memory_space<vmem>>
          %dma_start3A_308 = tpu.memref_squeeze %dma_start3A_307 : memref<1x40xi32, #tpu.memory_space<vmem>> -> memref<40xi32, #tpu.memory_space<vmem>>
          %dma_start3A_309 = arith.constant 0 : i32
          %dma_start3A_310 = arith.constant 0 : i32
          %dma_start3A_311 = tpu.memref_slice %arg2[%dma_start3A_309, %dma_start3A_310] : memref<10000x128xf32, #tpu.memory_space<hbm>> -> memref<10000x128xf32, #tpu.memory_space<hbm>>
          tpu.enqueue_indirect_dma source(%dma_start3A_311 : memref<10000x128xf32, #tpu.memory_space<hbm>>) target(%arg19 : memref<40x128xf32, #tpu.memory_space<vmem>>) offsets(%dma_start3A_308 : memref<40xi32, #tpu.memory_space<vmem>>) semaphore(%arg26 : memref<!tpu.dma_semaphore, #tpu.memory_space<semaphore_mem>>)
        } else {
        }
        %eq3A_301 = arith.constant 1 : i32
        %eq3A_302 = arith.cmpi eq, %arg0, %eq3A_301 : i32
        %convert_element_type3A_303 = arith.extui %eq3A_302 : i1 to i32
        %cond3A_304 = arith.constant 0 : i32
        %cond3A_305 = arith.cmpi ne, %convert_element_type3A_303, %cond3A_304 : i32
        scf.if %cond3A_305 {
          %dma_start3A_306 = arith.constant 0 : i32
          %dma_start3A_307 = tpu.memref_slice %arg12[%sub3A_295, %dma_start3A_306] : memref<125x40xi32, #tpu.memory_space<vmem>> -> memref<1x40xi32, #tpu.memory_space<vmem>>
          %dma_start3A_308 = tpu.memref_squeeze %dma_start3A_307 : memref<1x40xi32, #tpu.memory_space<vmem>> -> memref<40xi32, #tpu.memory_space<vmem>>
          %dma_start3A_309 = arith.constant 0 : i32
          %dma_start3A_310 = arith.constant 0 : i32
          %dma_start3A_311 = tpu.memref_slice %arg3[%dma_start3A_309, %dma_start3A_310] : memref<10000x128xf32, #tpu.memory_space<hbm>> -> memref<10000x128xf32, #tpu.memory_space<hbm>>
          tpu.enqueue_indirect_dma source(%dma_start3A_311 : memref<10000x128xf32, #tpu.memory_space<hbm>>) target(%arg19 : memref<40x128xf32, #tpu.memory_space<vmem>>) offsets(%dma_start3A_308 : memref<40xi32, #tpu.memory_space<vmem>>) semaphore(%arg26 : memref<!tpu.dma_semaphore, #tpu.memory_space<semaphore_mem>>)
        } else {
        }
      } else {
      }
      %dma_start3A = arith.constant 0 : i32
      %dma_start3A_150 = tpu.memref_slice %arg13[%add3A_131, %dma_start3A] : memref<125x40xi32, #tpu.memory_space<vmem>> -> memref<1x40xi32, #tpu.memory_space<vmem>>
      %dma_start3A_151 = tpu.memref_squeeze %dma_start3A_150 : memref<1x40xi32, #tpu.memory_space<vmem>> -> memref<40xi32, #tpu.memory_space<vmem>>
      %dma_start3A_152 = arith.constant 0 : i32
      %dma_start3A_153 = arith.constant 0 : i32
      %dma_start3A_154 = tpu.memref_slice %arg20[%dma_start3A_152, %dma_start3A_153] : memref<10000x128xf32, #tpu.memory_space<vmem_shared>> -> memref<10000x128xf32, #tpu.memory_space<vmem_shared>>
      tpu.enqueue_indirect_dma source(%arg15 : memref<40x128xf32, #tpu.memory_space<vmem>>) target(%dma_start3A_154 : memref<10000x128xf32, #tpu.memory_space<vmem_shared>>) offsets(%dma_start3A_151 : memref<40xi32, #tpu.memory_space<vmem>>) semaphore(%arg27 : memref<!tpu.dma_semaphore, #tpu.memory_space<semaphore_mem>>) {add = true}
      %eq3A_155 = arith.constant 0 : i32
      %eq3A_156 = arith.cmpi eq, %arg0, %eq3A_155 : i32
      %convert_element_type3A_157 = arith.extui %eq3A_156 : i1 to i32
      %cond3A_158 = arith.constant 0 : i32
      %cond3A_159 = arith.cmpi ne, %convert_element_type3A_157, %cond3A_158 : i32
      scf.if %cond3A_159 {
        %dma_start3A_292 = arith.constant 0 : i32
        %dma_start3A_293 = tpu.memref_slice %arg13[%add3A_131, %dma_start3A_292] : memref<125x40xi32, #tpu.memory_space<vmem>> -> memref<1x40xi32, #tpu.memory_space<vmem>>
        %dma_start3A_294 = tpu.memref_squeeze %dma_start3A_293 : memref<1x40xi32, #tpu.memory_space<vmem>> -> memref<40xi32, #tpu.memory_space<vmem>>
        %dma_start3A_295 = arith.constant 0 : i32
        %dma_start3A_296 = arith.constant 0 : i32
        %dma_start3A_297 = tpu.memref_slice %arg21[%dma_start3A_295, %dma_start3A_296] : memref<10000x16xf32, #tpu.memory_space<vmem_shared>> -> memref<10000x16xf32, #tpu.memory_space<vmem_shared>>
        tpu.enqueue_indirect_dma source(%arg14 : memref<40x16xf32, #tpu.memory_space<vmem>>) target(%dma_start3A_297 : memref<10000x16xf32, #tpu.memory_space<vmem_shared>>) offsets(%dma_start3A_294 : memref<40xi32, #tpu.memory_space<vmem>>) semaphore(%arg32 : memref<!tpu.dma_semaphore, #tpu.memory_space<semaphore_mem>>) {add = true}
      } else {
      }
      %add3A_160 = arith.constant 1 : i32
      %add3A_161 = arith.addi %mul3A_130, %add3A_160 : i32
      %dma_wait3A_162 = arith.constant 0 : i32
      %dma_wait3A_163 = arith.constant 0 : i32
      %dma_wait3A_164 = tpu.memref_slice %arg2[%dma_wait3A_162, %dma_wait3A_163] : memref<10000x128xf32, #tpu.memory_space<hbm>> -> memref<40x128xf32, #tpu.memory_space<hbm>>
      %dma_wait3A_165 = arith.constant 0 : i32
      %dma_wait3A_166 = arith.constant 0 : i32
      %dma_wait3A_167 = tpu.memref_slice %arg2[%dma_wait3A_165, %dma_wait3A_166] : memref<10000x128xf32, #tpu.memory_space<hbm>> -> memref<40x128xf32, #tpu.memory_space<hbm>>
      tpu.wait_dma2 semaphore(%arg23 : memref<!tpu.dma_semaphore, #tpu.memory_space<semaphore_mem>>) src(%dma_wait3A_167 : memref<40x128xf32, #tpu.memory_space<hbm>>) dst(%arg16 : memref<40x128xf32, #tpu.memory_space<vmem>>)
      %gt3A_168 = arith.constant 0 : i32
      %gt3A_169 = arith.cmpi sgt, %add3A_161, %gt3A_168 : i32
      %convert_element_type3A_170 = arith.extui %gt3A_169 : i1 to i32
      %cond3A_171 = arith.constant 0 : i32
      %cond3A_172 = arith.cmpi ne, %convert_element_type3A_170, %cond3A_171 : i32
      scf.if %cond3A_172 {
        %dma_wait3A_292 = arith.constant 0 : i32
        %dma_wait3A_293 = arith.constant 0 : i32
        %dma_wait3A_294 = tpu.memref_slice %arg2[%dma_wait3A_292, %dma_wait3A_293] : memref<10000x128xf32, #tpu.memory_space<hbm>> -> memref<40x128xf32, #tpu.memory_space<hbm>>
        %dma_wait3A_295 = arith.constant 0 : i32
        %dma_wait3A_296 = arith.constant 0 : i32
        %dma_wait3A_297 = tpu.memref_slice %arg2[%dma_wait3A_295, %dma_wait3A_296] : memref<10000x128xf32, #tpu.memory_space<hbm>> -> memref<40x128xf32, #tpu.memory_space<hbm>>
        tpu.wait_dma2 semaphore(%arg27 : memref<!tpu.dma_semaphore, #tpu.memory_space<semaphore_mem>>) src(%dma_wait3A_297 : memref<40x128xf32, #tpu.memory_space<hbm>>) dst(%arg15 : memref<40x128xf32, #tpu.memory_space<vmem>>)
        %eq3A_298 = arith.constant 0 : i32
        %eq3A_299 = arith.cmpi eq, %arg0, %eq3A_298 : i32
        %convert_element_type3A_300 = arith.extui %eq3A_299 : i1 to i32
        %cond3A_301 = arith.constant 0 : i32
        %cond3A_302 = arith.cmpi ne, %convert_element_type3A_300, %cond3A_301 : i32
        scf.if %cond3A_302 {
          tpu.wait_dma2 semaphore(%arg32 : memref<!tpu.dma_semaphore, #tpu.memory_space<semaphore_mem>>) src(%arg8 : memref<40x16xf32, #tpu.memory_space<hbm>>) dst(%arg14 : memref<40x16xf32, #tpu.memory_space<vmem>>)
        } else {
        }
      } else {
      }
      %add3A_173 = arith.constant 5 : i32
      %add3A_174 = arith.addi %add3A_161, %add3A_173 : i32
      %sub3A_175 = arith.constant 1 : i32
      %sub3A_176 = arith.subi %add3A_174, %sub3A_175 : i32
      %lt3A_177 = arith.constant 125 : i32
      %lt3A_178 = arith.cmpi slt, %sub3A_176, %lt3A_177 : i32
      %convert_element_type3A_179 = arith.extui %lt3A_178 : i1 to i32
      %cond3A_180 = arith.constant 0 : i32
      %cond3A_181 = arith.cmpi ne, %convert_element_type3A_179, %cond3A_180 : i32
      scf.if %cond3A_181 {
        %add3A_292 = arith.constant 5 : i32
        %add3A_293 = arith.addi %add3A_161, %add3A_292 : i32
        %sub3A_294 = arith.constant 1 : i32
        %sub3A_295 = arith.subi %add3A_293, %sub3A_294 : i32
        %eq3A_296 = arith.constant 0 : i32
        %eq3A_297 = arith.cmpi eq, %arg0, %eq3A_296 : i32
        %convert_element_type3A_298 = arith.extui %eq3A_297 : i1 to i32
        %cond3A_299 = arith.constant 0 : i32
        %cond3A_300 = arith.cmpi ne, %convert_element_type3A_298, %cond3A_299 : i32
        scf.if %cond3A_300 {
          %dma_start3A_306 = arith.constant 0 : i32
          %dma_start3A_307 = tpu.memref_slice %arg12[%sub3A_295, %dma_start3A_306] : memref<125x40xi32, #tpu.memory_space<vmem>> -> memref<1x40xi32, #tpu.memory_space<vmem>>
          %dma_start3A_308 = tpu.memref_squeeze %dma_start3A_307 : memref<1x40xi32, #tpu.memory_space<vmem>> -> memref<40xi32, #tpu.memory_space<vmem>>
          %dma_start3A_309 = arith.constant 0 : i32
          %dma_start3A_310 = arith.constant 0 : i32
          %dma_start3A_311 = tpu.memref_slice %arg2[%dma_start3A_309, %dma_start3A_310] : memref<10000x128xf32, #tpu.memory_space<hbm>> -> memref<10000x128xf32, #tpu.memory_space<hbm>>
          tpu.enqueue_indirect_dma source(%dma_start3A_311 : memref<10000x128xf32, #tpu.memory_space<hbm>>) target(%arg15 : memref<40x128xf32, #tpu.memory_space<vmem>>) offsets(%dma_start3A_308 : memref<40xi32, #tpu.memory_space<vmem>>) semaphore(%arg22 : memref<!tpu.dma_semaphore, #tpu.memory_space<semaphore_mem>>)
        } else {
        }
        %eq3A_301 = arith.constant 1 : i32
        %eq3A_302 = arith.cmpi eq, %arg0, %eq3A_301 : i32
        %convert_element_type3A_303 = arith.extui %eq3A_302 : i1 to i32
        %cond3A_304 = arith.constant 0 : i32
        %cond3A_305 = arith.cmpi ne, %convert_element_type3A_303, %cond3A_304 : i32
        scf.if %cond3A_305 {
          %dma_start3A_306 = arith.constant 0 : i32
          %dma_start3A_307 = tpu.memref_slice %arg12[%sub3A_295, %dma_start3A_306] : memref<125x40xi32, #tpu.memory_space<vmem>> -> memref<1x40xi32, #tpu.memory_space<vmem>>
          %dma_start3A_308 = tpu.memref_squeeze %dma_start3A_307 : memref<1x40xi32, #tpu.memory_space<vmem>> -> memref<40xi32, #tpu.memory_space<vmem>>
          %dma_start3A_309 = arith.constant 0 : i32
          %dma_start3A_310 = arith.constant 0 : i32
          %dma_start3A_311 = tpu.memref_slice %arg3[%dma_start3A_309, %dma_start3A_310] : memref<10000x128xf32, #tpu.memory_space<hbm>> -> memref<10000x128xf32, #tpu.memory_space<hbm>>
          tpu.enqueue_indirect_dma source(%dma_start3A_311 : memref<10000x128xf32, #tpu.memory_space<hbm>>) target(%arg15 : memref<40x128xf32, #tpu.memory_space<vmem>>) offsets(%dma_start3A_308 : memref<40xi32, #tpu.memory_space<vmem>>) semaphore(%arg22 : memref<!tpu.dma_semaphore, #tpu.memory_space<semaphore_mem>>)
        } else {
        }
      } else {
      }
      %dma_start3A_182 = arith.constant 0 : i32
      %dma_start3A_183 = tpu.memref_slice %arg13[%add3A_161, %dma_start3A_182] : memref<125x40xi32, #tpu.memory_space<vmem>> -> memref<1x40xi32, #tpu.memory_space<vmem>>
      %dma_start3A_184 = tpu.memref_squeeze %dma_start3A_183 : memref<1x40xi32, #tpu.memory_space<vmem>> -> memref<40xi32, #tpu.memory_space<vmem>>
      %dma_start3A_185 = arith.constant 0 : i32
      %dma_start3A_186 = arith.constant 0 : i32
      %dma_start3A_187 = tpu.memref_slice %arg20[%dma_start3A_185, %dma_start3A_186] : memref<10000x128xf32, #tpu.memory_space<vmem_shared>> -> memref<10000x128xf32, #tpu.memory_space<vmem_shared>>
      tpu.enqueue_indirect_dma source(%arg16 : memref<40x128xf32, #tpu.memory_space<vmem>>) target(%dma_start3A_187 : memref<10000x128xf32, #tpu.memory_space<vmem_shared>>) offsets(%dma_start3A_184 : memref<40xi32, #tpu.memory_space<vmem>>) semaphore(%arg28 : memref<!tpu.dma_semaphore, #tpu.memory_space<semaphore_mem>>) {add = true}
      %eq3A_188 = arith.constant 0 : i32
      %eq3A_189 = arith.cmpi eq, %arg0, %eq3A_188 : i32
      %convert_element_type3A_190 = arith.extui %eq3A_189 : i1 to i32
      %cond3A_191 = arith.constant 0 : i32
      %cond3A_192 = arith.cmpi ne, %convert_element_type3A_190, %cond3A_191 : i32
      scf.if %cond3A_192 {
        %dma_start3A_292 = arith.constant 0 : i32
        %dma_start3A_293 = tpu.memref_slice %arg13[%add3A_161, %dma_start3A_292] : memref<125x40xi32, #tpu.memory_space<vmem>> -> memref<1x40xi32, #tpu.memory_space<vmem>>
        %dma_start3A_294 = tpu.memref_squeeze %dma_start3A_293 : memref<1x40xi32, #tpu.memory_space<vmem>> -> memref<40xi32, #tpu.memory_space<vmem>>
        %dma_start3A_295 = arith.constant 0 : i32
        %dma_start3A_296 = arith.constant 0 : i32
        %dma_start3A_297 = tpu.memref_slice %arg21[%dma_start3A_295, %dma_start3A_296] : memref<10000x16xf32, #tpu.memory_space<vmem_shared>> -> memref<10000x16xf32, #tpu.memory_space<vmem_shared>>
        tpu.enqueue_indirect_dma source(%arg14 : memref<40x16xf32, #tpu.memory_space<vmem>>) target(%dma_start3A_297 : memref<10000x16xf32, #tpu.memory_space<vmem_shared>>) offsets(%dma_start3A_294 : memref<40xi32, #tpu.memory_space<vmem>>) semaphore(%arg33 : memref<!tpu.dma_semaphore, #tpu.memory_space<semaphore_mem>>) {add = true}
      } else {
      }
      %add3A_193 = arith.constant 2 : i32
      %add3A_194 = arith.addi %mul3A_130, %add3A_193 : i32
      %dma_wait3A_195 = arith.constant 0 : i32
      %dma_wait3A_196 = arith.constant 0 : i32
      %dma_wait3A_197 = tpu.memref_slice %arg2[%dma_wait3A_195, %dma_wait3A_196] : memref<10000x128xf32, #tpu.memory_space<hbm>> -> memref<40x128xf32, #tpu.memory_space<hbm>>
      %dma_wait3A_198 = arith.constant 0 : i32
      %dma_wait3A_199 = arith.constant 0 : i32
      %dma_wait3A_200 = tpu.memref_slice %arg2[%dma_wait3A_198, %dma_wait3A_199] : memref<10000x128xf32, #tpu.memory_space<hbm>> -> memref<40x128xf32, #tpu.memory_space<hbm>>
      tpu.wait_dma2 semaphore(%arg24 : memref<!tpu.dma_semaphore, #tpu.memory_space<semaphore_mem>>) src(%dma_wait3A_200 : memref<40x128xf32, #tpu.memory_space<hbm>>) dst(%arg17 : memref<40x128xf32, #tpu.memory_space<vmem>>)
      %gt3A_201 = arith.constant 0 : i32
      %gt3A_202 = arith.cmpi sgt, %add3A_194, %gt3A_201 : i32
      %convert_element_type3A_203 = arith.extui %gt3A_202 : i1 to i32
      %cond3A_204 = arith.constant 0 : i32
      %cond3A_205 = arith.cmpi ne, %convert_element_type3A_203, %cond3A_204 : i32
      scf.if %cond3A_205 {
        %dma_wait3A_292 = arith.constant 0 : i32
        %dma_wait3A_293 = arith.constant 0 : i32
        %dma_wait3A_294 = tpu.memref_slice %arg2[%dma_wait3A_292, %dma_wait3A_293] : memref<10000x128xf32, #tpu.memory_space<hbm>> -> memref<40x128xf32, #tpu.memory_space<hbm>>
        %dma_wait3A_295 = arith.constant 0 : i32
        %dma_wait3A_296 = arith.constant 0 : i32
        %dma_wait3A_297 = tpu.memref_slice %arg2[%dma_wait3A_295, %dma_wait3A_296] : memref<10000x128xf32, #tpu.memory_space<hbm>> -> memref<40x128xf32, #tpu.memory_space<hbm>>
        tpu.wait_dma2 semaphore(%arg28 : memref<!tpu.dma_semaphore, #tpu.memory_space<semaphore_mem>>) src(%dma_wait3A_297 : memref<40x128xf32, #tpu.memory_space<hbm>>) dst(%arg16 : memref<40x128xf32, #tpu.memory_space<vmem>>)
        %eq3A_298 = arith.constant 0 : i32
        %eq3A_299 = arith.cmpi eq, %arg0, %eq3A_298 : i32
        %convert_element_type3A_300 = arith.extui %eq3A_299 : i1 to i32
        %cond3A_301 = arith.constant 0 : i32
        %cond3A_302 = arith.cmpi ne, %convert_element_type3A_300, %cond3A_301 : i32
        scf.if %cond3A_302 {
          tpu.wait_dma2 semaphore(%arg33 : memref<!tpu.dma_semaphore, #tpu.memory_space<semaphore_mem>>) src(%arg8 : memref<40x16xf32, #tpu.memory_space<hbm>>) dst(%arg14 : memref<40x16xf32, #tpu.memory_space<vmem>>)
        } else {
        }
      } else {
      }
      %add3A_206 = arith.constant 5 : i32
      %add3A_207 = arith.addi %add3A_194, %add3A_206 : i32
      %sub3A_208 = arith.constant 1 : i32
      %sub3A_209 = arith.subi %add3A_207, %sub3A_208 : i32
      %lt3A_210 = arith.constant 125 : i32
      %lt3A_211 = arith.cmpi slt, %sub3A_209, %lt3A_210 : i32
      %convert_element_type3A_212 = arith.extui %lt3A_211 : i1 to i32
      %cond3A_213 = arith.constant 0 : i32
      %cond3A_214 = arith.cmpi ne, %convert_element_type3A_212, %cond3A_213 : i32
      scf.if %cond3A_214 {
        %add3A_292 = arith.constant 5 : i32
        %add3A_293 = arith.addi %add3A_194, %add3A_292 : i32
        %sub3A_294 = arith.constant 1 : i32
        %sub3A_295 = arith.subi %add3A_293, %sub3A_294 : i32
        %eq3A_296 = arith.constant 0 : i32
        %eq3A_297 = arith.cmpi eq, %arg0, %eq3A_296 : i32
        %convert_element_type3A_298 = arith.extui %eq3A_297 : i1 to i32
        %cond3A_299 = arith.constant 0 : i32
        %cond3A_300 = arith.cmpi ne, %convert_element_type3A_298, %cond3A_299 : i32
        scf.if %cond3A_300 {
          %dma_start3A_306 = arith.constant 0 : i32
          %dma_start3A_307 = tpu.memref_slice %arg12[%sub3A_295, %dma_start3A_306] : memref<125x40xi32, #tpu.memory_space<vmem>> -> memref<1x40xi32, #tpu.memory_space<vmem>>
          %dma_start3A_308 = tpu.memref_squeeze %dma_start3A_307 : memref<1x40xi32, #tpu.memory_space<vmem>> -> memref<40xi32, #tpu.memory_space<vmem>>
          %dma_start3A_309 = arith.constant 0 : i32
          %dma_start3A_310 = arith.constant 0 : i32
          %dma_start3A_311 = tpu.memref_slice %arg2[%dma_start3A_309, %dma_start3A_310] : memref<10000x128xf32, #tpu.memory_space<hbm>> -> memref<10000x128xf32, #tpu.memory_space<hbm>>
          tpu.enqueue_indirect_dma source(%dma_start3A_311 : memref<10000x128xf32, #tpu.memory_space<hbm>>) target(%arg16 : memref<40x128xf32, #tpu.memory_space<vmem>>) offsets(%dma_start3A_308 : memref<40xi32, #tpu.memory_space<vmem>>) semaphore(%arg23 : memref<!tpu.dma_semaphore, #tpu.memory_space<semaphore_mem>>)
        } else {
        }
        %eq3A_301 = arith.constant 1 : i32
        %eq3A_302 = arith.cmpi eq, %arg0, %eq3A_301 : i32
        %convert_element_type3A_303 = arith.extui %eq3A_302 : i1 to i32
        %cond3A_304 = arith.constant 0 : i32
        %cond3A_305 = arith.cmpi ne, %convert_element_type3A_303, %cond3A_304 : i32
        scf.if %cond3A_305 {
          %dma_start3A_306 = arith.constant 0 : i32
          %dma_start3A_307 = tpu.memref_slice %arg12[%sub3A_295, %dma_start3A_306] : memref<125x40xi32, #tpu.memory_space<vmem>> -> memref<1x40xi32, #tpu.memory_space<vmem>>
          %dma_start3A_308 = tpu.memref_squeeze %dma_start3A_307 : memref<1x40xi32, #tpu.memory_space<vmem>> -> memref<40xi32, #tpu.memory_space<vmem>>
          %dma_start3A_309 = arith.constant 0 : i32
          %dma_start3A_310 = arith.constant 0 : i32
          %dma_start3A_311 = tpu.memref_slice %arg3[%dma_start3A_309, %dma_start3A_310] : memref<10000x128xf32, #tpu.memory_space<hbm>> -> memref<10000x128xf32, #tpu.memory_space<hbm>>
          tpu.enqueue_indirect_dma source(%dma_start3A_311 : memref<10000x128xf32, #tpu.memory_space<hbm>>) target(%arg16 : memref<40x128xf32, #tpu.memory_space<vmem>>) offsets(%dma_start3A_308 : memref<40xi32, #tpu.memory_space<vmem>>) semaphore(%arg23 : memref<!tpu.dma_semaphore, #tpu.memory_space<semaphore_mem>>)
        } else {
        }
      } else {
      }
      %dma_start3A_215 = arith.constant 0 : i32
      %dma_start3A_216 = tpu.memref_slice %arg13[%add3A_194, %dma_start3A_215] : memref<125x40xi32, #tpu.memory_space<vmem>> -> memref<1x40xi32, #tpu.memory_space<vmem>>
      %dma_start3A_217 = tpu.memref_squeeze %dma_start3A_216 : memref<1x40xi32, #tpu.memory_space<vmem>> -> memref<40xi32, #tpu.memory_space<vmem>>
      %dma_start3A_218 = arith.constant 0 : i32
      %dma_start3A_219 = arith.constant 0 : i32
      %dma_start3A_220 = tpu.memref_slice %arg20[%dma_start3A_218, %dma_start3A_219] : memref<10000x128xf32, #tpu.memory_space<vmem_shared>> -> memref<10000x128xf32, #tpu.memory_space<vmem_shared>>
      tpu.enqueue_indirect_dma source(%arg17 : memref<40x128xf32, #tpu.memory_space<vmem>>) target(%dma_start3A_220 : memref<10000x128xf32, #tpu.memory_space<vmem_shared>>) offsets(%dma_start3A_217 : memref<40xi32, #tpu.memory_space<vmem>>) semaphore(%arg29 : memref<!tpu.dma_semaphore, #tpu.memory_space<semaphore_mem>>) {add = true}
      %eq3A_221 = arith.constant 0 : i32
      %eq3A_222 = arith.cmpi eq, %arg0, %eq3A_221 : i32
      %convert_element_type3A_223 = arith.extui %eq3A_222 : i1 to i32
      %cond3A_224 = arith.constant 0 : i32
      %cond3A_225 = arith.cmpi ne, %convert_element_type3A_223, %cond3A_224 : i32
      scf.if %cond3A_225 {
        %dma_start3A_292 = arith.constant 0 : i32
        %dma_start3A_293 = tpu.memref_slice %arg13[%add3A_194, %dma_start3A_292] : memref<125x40xi32, #tpu.memory_space<vmem>> -> memref<1x40xi32, #tpu.memory_space<vmem>>
        %dma_start3A_294 = tpu.memref_squeeze %dma_start3A_293 : memref<1x40xi32, #tpu.memory_space<vmem>> -> memref<40xi32, #tpu.memory_space<vmem>>
        %dma_start3A_295 = arith.constant 0 : i32
        %dma_start3A_296 = arith.constant 0 : i32
        %dma_start3A_297 = tpu.memref_slice %arg21[%dma_start3A_295, %dma_start3A_296] : memref<10000x16xf32, #tpu.memory_space<vmem_shared>> -> memref<10000x16xf32, #tpu.memory_space<vmem_shared>>
        tpu.enqueue_indirect_dma source(%arg14 : memref<40x16xf32, #tpu.memory_space<vmem>>) target(%dma_start3A_297 : memref<10000x16xf32, #tpu.memory_space<vmem_shared>>) offsets(%dma_start3A_294 : memref<40xi32, #tpu.memory_space<vmem>>) semaphore(%arg34 : memref<!tpu.dma_semaphore, #tpu.memory_space<semaphore_mem>>) {add = true}
      } else {
      }
      %add3A_226 = arith.constant 3 : i32
      %add3A_227 = arith.addi %mul3A_130, %add3A_226 : i32
      %dma_wait3A_228 = arith.constant 0 : i32
      %dma_wait3A_229 = arith.constant 0 : i32
      %dma_wait3A_230 = tpu.memref_slice %arg2[%dma_wait3A_228, %dma_wait3A_229] : memref<10000x128xf32, #tpu.memory_space<hbm>> -> memref<40x128xf32, #tpu.memory_space<hbm>>
      %dma_wait3A_231 = arith.constant 0 : i32
      %dma_wait3A_232 = arith.constant 0 : i32
      %dma_wait3A_233 = tpu.memref_slice %arg2[%dma_wait3A_231, %dma_wait3A_232] : memref<10000x128xf32, #tpu.memory_space<hbm>> -> memref<40x128xf32, #tpu.memory_space<hbm>>
      tpu.wait_dma2 semaphore(%arg25 : memref<!tpu.dma_semaphore, #tpu.memory_space<semaphore_mem>>) src(%dma_wait3A_233 : memref<40x128xf32, #tpu.memory_space<hbm>>) dst(%arg18 : memref<40x128xf32, #tpu.memory_space<vmem>>)
      %gt3A_234 = arith.constant 0 : i32
      %gt3A_235 = arith.cmpi sgt, %add3A_227, %gt3A_234 : i32
      %convert_element_type3A_236 = arith.extui %gt3A_235 : i1 to i32
      %cond3A_237 = arith.constant 0 : i32
      %cond3A_238 = arith.cmpi ne, %convert_element_type3A_236, %cond3A_237 : i32
      scf.if %cond3A_238 {
        %dma_wait3A_292 = arith.constant 0 : i32
        %dma_wait3A_293 = arith.constant 0 : i32
        %dma_wait3A_294 = tpu.memref_slice %arg2[%dma_wait3A_292, %dma_wait3A_293] : memref<10000x128xf32, #tpu.memory_space<hbm>> -> memref<40x128xf32, #tpu.memory_space<hbm>>
        %dma_wait3A_295 = arith.constant 0 : i32
        %dma_wait3A_296 = arith.constant 0 : i32
        %dma_wait3A_297 = tpu.memref_slice %arg2[%dma_wait3A_295, %dma_wait3A_296] : memref<10000x128xf32, #tpu.memory_space<hbm>> -> memref<40x128xf32, #tpu.memory_space<hbm>>
        tpu.wait_dma2 semaphore(%arg29 : memref<!tpu.dma_semaphore, #tpu.memory_space<semaphore_mem>>) src(%dma_wait3A_297 : memref<40x128xf32, #tpu.memory_space<hbm>>) dst(%arg17 : memref<40x128xf32, #tpu.memory_space<vmem>>)
        %eq3A_298 = arith.constant 0 : i32
        %eq3A_299 = arith.cmpi eq, %arg0, %eq3A_298 : i32
        %convert_element_type3A_300 = arith.extui %eq3A_299 : i1 to i32
        %cond3A_301 = arith.constant 0 : i32
        %cond3A_302 = arith.cmpi ne, %convert_element_type3A_300, %cond3A_301 : i32
        scf.if %cond3A_302 {
          tpu.wait_dma2 semaphore(%arg34 : memref<!tpu.dma_semaphore, #tpu.memory_space<semaphore_mem>>) src(%arg8 : memref<40x16xf32, #tpu.memory_space<hbm>>) dst(%arg14 : memref<40x16xf32, #tpu.memory_space<vmem>>)
        } else {
        }
      } else {
      }
      %add3A_239 = arith.constant 5 : i32
      %add3A_240 = arith.addi %add3A_227, %add3A_239 : i32
      %sub3A_241 = arith.constant 1 : i32
      %sub3A_242 = arith.subi %add3A_240, %sub3A_241 : i32
      %lt3A_243 = arith.constant 125 : i32
      %lt3A_244 = arith.cmpi slt, %sub3A_242, %lt3A_243 : i32
      %convert_element_type3A_245 = arith.extui %lt3A_244 : i1 to i32
      %cond3A_246 = arith.constant 0 : i32
      %cond3A_247 = arith.cmpi ne, %convert_element_type3A_245, %cond3A_246 : i32
      scf.if %cond3A_247 {
        %add3A_292 = arith.constant 5 : i32
        %add3A_293 = arith.addi %add3A_227, %add3A_292 : i32
        %sub3A_294 = arith.constant 1 : i32
        %sub3A_295 = arith.subi %add3A_293, %sub3A_294 : i32
        %eq3A_296 = arith.constant 0 : i32
        %eq3A_297 = arith.cmpi eq, %arg0, %eq3A_296 : i32
        %convert_element_type3A_298 = arith.extui %eq3A_297 : i1 to i32
        %cond3A_299 = arith.constant 0 : i32
        %cond3A_300 = arith.cmpi ne, %convert_element_type3A_298, %cond3A_299 : i32
        scf.if %cond3A_300 {
          %dma_start3A_306 = arith.constant 0 : i32
          %dma_start3A_307 = tpu.memref_slice %arg12[%sub3A_295, %dma_start3A_306] : memref<125x40xi32, #tpu.memory_space<vmem>> -> memref<1x40xi32, #tpu.memory_space<vmem>>
          %dma_start3A_308 = tpu.memref_squeeze %dma_start3A_307 : memref<1x40xi32, #tpu.memory_space<vmem>> -> memref<40xi32, #tpu.memory_space<vmem>>
          %dma_start3A_309 = arith.constant 0 : i32
          %dma_start3A_310 = arith.constant 0 : i32
          %dma_start3A_311 = tpu.memref_slice %arg2[%dma_start3A_309, %dma_start3A_310] : memref<10000x128xf32, #tpu.memory_space<hbm>> -> memref<10000x128xf32, #tpu.memory_space<hbm>>
          tpu.enqueue_indirect_dma source(%dma_start3A_311 : memref<10000x128xf32, #tpu.memory_space<hbm>>) target(%arg17 : memref<40x128xf32, #tpu.memory_space<vmem>>) offsets(%dma_start3A_308 : memref<40xi32, #tpu.memory_space<vmem>>) semaphore(%arg24 : memref<!tpu.dma_semaphore, #tpu.memory_space<semaphore_mem>>)
        } else {
        }
        %eq3A_301 = arith.constant 1 : i32
        %eq3A_302 = arith.cmpi eq, %arg0, %eq3A_301 : i32
        %convert_element_type3A_303 = arith.extui %eq3A_302 : i1 to i32
        %cond3A_304 = arith.constant 0 : i32
        %cond3A_305 = arith.cmpi ne, %convert_element_type3A_303, %cond3A_304 : i32
        scf.if %cond3A_305 {
          %dma_start3A_306 = arith.constant 0 : i32
          %dma_start3A_307 = tpu.memref_slice %arg12[%sub3A_295, %dma_start3A_306] : memref<125x40xi32, #tpu.memory_space<vmem>> -> memref<1x40xi32, #tpu.memory_space<vmem>>
          %dma_start3A_308 = tpu.memref_squeeze %dma_start3A_307 : memref<1x40xi32, #tpu.memory_space<vmem>> -> memref<40xi32, #tpu.memory_space<vmem>>
          %dma_start3A_309 = arith.constant 0 : i32
          %dma_start3A_310 = arith.constant 0 : i32
          %dma_start3A_311 = tpu.memref_slice %arg3[%dma_start3A_309, %dma_start3A_310] : memref<10000x128xf32, #tpu.memory_space<hbm>> -> memref<10000x128xf32, #tpu.memory_space<hbm>>
          tpu.enqueue_indirect_dma source(%dma_start3A_311 : memref<10000x128xf32, #tpu.memory_space<hbm>>) target(%arg17 : memref<40x128xf32, #tpu.memory_space<vmem>>) offsets(%dma_start3A_308 : memref<40xi32, #tpu.memory_space<vmem>>) semaphore(%arg24 : memref<!tpu.dma_semaphore, #tpu.memory_space<semaphore_mem>>)
        } else {
        }
      } else {
      }
      %dma_start3A_248 = arith.constant 0 : i32
      %dma_start3A_249 = tpu.memref_slice %arg13[%add3A_227, %dma_start3A_248] : memref<125x40xi32, #tpu.memory_space<vmem>> -> memref<1x40xi32, #tpu.memory_space<vmem>>
      %dma_start3A_250 = tpu.memref_squeeze %dma_start3A_249 : memref<1x40xi32, #tpu.memory_space<vmem>> -> memref<40xi32, #tpu.memory_space<vmem>>
      %dma_start3A_251 = arith.constant 0 : i32
      %dma_start3A_252 = arith.constant 0 : i32
      %dma_start3A_253 = tpu.memref_slice %arg20[%dma_start3A_251, %dma_start3A_252] : memref<10000x128xf32, #tpu.memory_space<vmem_shared>> -> memref<10000x128xf32, #tpu.memory_space<vmem_shared>>
      tpu.enqueue_indirect_dma source(%arg18 : memref<40x128xf32, #tpu.memory_space<vmem>>) target(%dma_start3A_253 : memref<10000x128xf32, #tpu.memory_space<vmem_shared>>) offsets(%dma_start3A_250 : memref<40xi32, #tpu.memory_space<vmem>>) semaphore(%arg30 : memref<!tpu.dma_semaphore, #tpu.memory_space<semaphore_mem>>) {add = true}
      %eq3A_254 = arith.constant 0 : i32
      %eq3A_255 = arith.cmpi eq, %arg0, %eq3A_254 : i32
      %convert_element_type3A_256 = arith.extui %eq3A_255 : i1 to i32
      %cond3A_257 = arith.constant 0 : i32
      %cond3A_258 = arith.cmpi ne, %convert_element_type3A_256, %cond3A_257 : i32
      scf.if %cond3A_258 {
        %dma_start3A_292 = arith.constant 0 : i32
        %dma_start3A_293 = tpu.memref_slice %arg13[%add3A_227, %dma_start3A_292] : memref<125x40xi32, #tpu.memory_space<vmem>> -> memref<1x40xi32, #tpu.memory_space<vmem>>
        %dma_start3A_294 = tpu.memref_squeeze %dma_start3A_293 : memref<1x40xi32, #tpu.memory_space<vmem>> -> memref<40xi32, #tpu.memory_space<vmem>>
        %dma_start3A_295 = arith.constant 0 : i32
        %dma_start3A_296 = arith.constant 0 : i32
        %dma_start3A_297 = tpu.memref_slice %arg21[%dma_start3A_295, %dma_start3A_296] : memref<10000x16xf32, #tpu.memory_space<vmem_shared>> -> memref<10000x16xf32, #tpu.memory_space<vmem_shared>>
        tpu.enqueue_indirect_dma source(%arg14 : memref<40x16xf32, #tpu.memory_space<vmem>>) target(%dma_start3A_297 : memref<10000x16xf32, #tpu.memory_space<vmem_shared>>) offsets(%dma_start3A_294 : memref<40xi32, #tpu.memory_space<vmem>>) semaphore(%arg35 : memref<!tpu.dma_semaphore, #tpu.memory_space<semaphore_mem>>) {add = true}
      } else {
      }
      %add3A_259 = arith.constant 4 : i32
      %add3A_260 = arith.addi %mul3A_130, %add3A_259 : i32
      %dma_wait3A_261 = arith.constant 0 : i32
      %dma_wait3A_262 = arith.constant 0 : i32
      %dma_wait3A_263 = tpu.memref_slice %arg2[%dma_wait3A_261, %dma_wait3A_262] : memref<10000x128xf32, #tpu.memory_space<hbm>> -> memref<40x128xf32, #tpu.memory_space<hbm>>
      %dma_wait3A_264 = arith.constant 0 : i32
      %dma_wait3A_265 = arith.constant 0 : i32
      %dma_wait3A_266 = tpu.memref_slice %arg2[%dma_wait3A_264, %dma_wait3A_265] : memref<10000x128xf32, #tpu.memory_space<hbm>> -> memref<40x128xf32, #tpu.memory_space<hbm>>
      tpu.wait_dma2 semaphore(%arg26 : memref<!tpu.dma_semaphore, #tpu.memory_space<semaphore_mem>>) src(%dma_wait3A_266 : memref<40x128xf32, #tpu.memory_space<hbm>>) dst(%arg19 : memref<40x128xf32, #tpu.memory_space<vmem>>)
      %gt3A_267 = arith.constant 0 : i32
      %gt3A_268 = arith.cmpi sgt, %add3A_260, %gt3A_267 : i32
      %convert_element_type3A_269 = arith.extui %gt3A_268 : i1 to i32
      %cond3A_270 = arith.constant 0 : i32
      %cond3A_271 = arith.cmpi ne, %convert_element_type3A_269, %cond3A_270 : i32
      scf.if %cond3A_271 {
        %dma_wait3A_292 = arith.constant 0 : i32
        %dma_wait3A_293 = arith.constant 0 : i32
        %dma_wait3A_294 = tpu.memref_slice %arg2[%dma_wait3A_292, %dma_wait3A_293] : memref<10000x128xf32, #tpu.memory_space<hbm>> -> memref<40x128xf32, #tpu.memory_space<hbm>>
        %dma_wait3A_295 = arith.constant 0 : i32
        %dma_wait3A_296 = arith.constant 0 : i32
        %dma_wait3A_297 = tpu.memref_slice %arg2[%dma_wait3A_295, %dma_wait3A_296] : memref<10000x128xf32, #tpu.memory_space<hbm>> -> memref<40x128xf32, #tpu.memory_space<hbm>>
        tpu.wait_dma2 semaphore(%arg30 : memref<!tpu.dma_semaphore, #tpu.memory_space<semaphore_mem>>) src(%dma_wait3A_297 : memref<40x128xf32, #tpu.memory_space<hbm>>) dst(%arg18 : memref<40x128xf32, #tpu.memory_space<vmem>>)
        %eq3A_298 = arith.constant 0 : i32
        %eq3A_299 = arith.cmpi eq, %arg0, %eq3A_298 : i32
        %convert_element_type3A_300 = arith.extui %eq3A_299 : i1 to i32
        %cond3A_301 = arith.constant 0 : i32
        %cond3A_302 = arith.cmpi ne, %convert_element_type3A_300, %cond3A_301 : i32
        scf.if %cond3A_302 {
          tpu.wait_dma2 semaphore(%arg35 : memref<!tpu.dma_semaphore, #tpu.memory_space<semaphore_mem>>) src(%arg8 : memref<40x16xf32, #tpu.memory_space<hbm>>) dst(%arg14 : memref<40x16xf32, #tpu.memory_space<vmem>>)
        } else {
        }
      } else {
      }
      %add3A_272 = arith.constant 5 : i32
      %add3A_273 = arith.addi %add3A_260, %add3A_272 : i32
      %sub3A_274 = arith.constant 1 : i32
      %sub3A_275 = arith.subi %add3A_273, %sub3A_274 : i32
      %lt3A_276 = arith.constant 125 : i32
      %lt3A_277 = arith.cmpi slt, %sub3A_275, %lt3A_276 : i32
      %convert_element_type3A_278 = arith.extui %lt3A_277 : i1 to i32
      %cond3A_279 = arith.constant 0 : i32
      %cond3A_280 = arith.cmpi ne, %convert_element_type3A_278, %cond3A_279 : i32
      scf.if %cond3A_280 {
        %add3A_292 = arith.constant 5 : i32
        %add3A_293 = arith.addi %add3A_260, %add3A_292 : i32
        %sub3A_294 = arith.constant 1 : i32
        %sub3A_295 = arith.subi %add3A_293, %sub3A_294 : i32
        %eq3A_296 = arith.constant 0 : i32
        %eq3A_297 = arith.cmpi eq, %arg0, %eq3A_296 : i32
        %convert_element_type3A_298 = arith.extui %eq3A_297 : i1 to i32
        %cond3A_299 = arith.constant 0 : i32
        %cond3A_300 = arith.cmpi ne, %convert_element_type3A_298, %cond3A_299 : i32
        scf.if %cond3A_300 {
          %dma_start3A_306 = arith.constant 0 : i32
          %dma_start3A_307 = tpu.memref_slice %arg12[%sub3A_295, %dma_start3A_306] : memref<125x40xi32, #tpu.memory_space<vmem>> -> memref<1x40xi32, #tpu.memory_space<vmem>>
          %dma_start3A_308 = tpu.memref_squeeze %dma_start3A_307 : memref<1x40xi32, #tpu.memory_space<vmem>> -> memref<40xi32, #tpu.memory_space<vmem>>
          %dma_start3A_309 = arith.constant 0 : i32
          %dma_start3A_310 = arith.constant 0 : i32
          %dma_start3A_311 = tpu.memref_slice %arg2[%dma_start3A_309, %dma_start3A_310] : memref<10000x128xf32, #tpu.memory_space<hbm>> -> memref<10000x128xf32, #tpu.memory_space<hbm>>
          tpu.enqueue_indirect_dma source(%dma_start3A_311 : memref<10000x128xf32, #tpu.memory_space<hbm>>) target(%arg18 : memref<40x128xf32, #tpu.memory_space<vmem>>) offsets(%dma_start3A_308 : memref<40xi32, #tpu.memory_space<vmem>>) semaphore(%arg25 : memref<!tpu.dma_semaphore, #tpu.memory_space<semaphore_mem>>)
        } else {
        }
        %eq3A_301 = arith.constant 1 : i32
        %eq3A_302 = arith.cmpi eq, %arg0, %eq3A_301 : i32
        %convert_element_type3A_303 = arith.extui %eq3A_302 : i1 to i32
        %cond3A_304 = arith.constant 0 : i32
        %cond3A_305 = arith.cmpi ne, %convert_element_type3A_303, %cond3A_304 : i32
        scf.if %cond3A_305 {
          %dma_start3A_306 = arith.constant 0 : i32
          %dma_start3A_307 = tpu.memref_slice %arg12[%sub3A_295, %dma_start3A_306] : memref<125x40xi32, #tpu.memory_space<vmem>> -> memref<1x40xi32, #tpu.memory_space<vmem>>
          %dma_start3A_308 = tpu.memref_squeeze %dma_start3A_307 : memref<1x40xi32, #tpu.memory_space<vmem>> -> memref<40xi32, #tpu.memory_space<vmem>>
          %dma_start3A_309 = arith.constant 0 : i32
          %dma_start3A_310 = arith.constant 0 : i32
          %dma_start3A_311 = tpu.memref_slice %arg3[%dma_start3A_309, %dma_start3A_310] : memref<10000x128xf32, #tpu.memory_space<hbm>> -> memref<10000x128xf32, #tpu.memory_space<hbm>>
          tpu.enqueue_indirect_dma source(%dma_start3A_311 : memref<10000x128xf32, #tpu.memory_space<hbm>>) target(%arg18 : memref<40x128xf32, #tpu.memory_space<vmem>>) offsets(%dma_start3A_308 : memref<40xi32, #tpu.memory_space<vmem>>) semaphore(%arg25 : memref<!tpu.dma_semaphore, #tpu.memory_space<semaphore_mem>>)
        } else {
        }
      } else {
      }
      %dma_start3A_281 = arith.constant 0 : i32
      %dma_start3A_282 = tpu.memref_slice %arg13[%add3A_260, %dma_start3A_281] : memref<125x40xi32, #tpu.memory_space<vmem>> -> memref<1x40xi32, #tpu.memory_space<vmem>>
      %dma_start3A_283 = tpu.memref_squeeze %dma_start3A_282 : memref<1x40xi32, #tpu.memory_space<vmem>> -> memref<40xi32, #tpu.memory_space<vmem>>
      %dma_start3A_284 = arith.constant 0 : i32
      %dma_start3A_285 = arith.constant 0 : i32
      %dma_start3A_286 = tpu.memref_slice %arg20[%dma_start3A_284, %dma_start3A_285] : memref<10000x128xf32, #tpu.memory_space<vmem_shared>> -> memref<10000x128xf32, #tpu.memory_space<vmem_shared>>
      tpu.enqueue_indirect_dma source(%arg19 : memref<40x128xf32, #tpu.memory_space<vmem>>) target(%dma_start3A_286 : memref<10000x128xf32, #tpu.memory_space<vmem_shared>>) offsets(%dma_start3A_283 : memref<40xi32, #tpu.memory_space<vmem>>) semaphore(%arg31 : memref<!tpu.dma_semaphore, #tpu.memory_space<semaphore_mem>>) {add = true}
      %eq3A_287 = arith.constant 0 : i32
      %eq3A_288 = arith.cmpi eq, %arg0, %eq3A_287 : i32
      %convert_element_type3A_289 = arith.extui %eq3A_288 : i1 to i32
      %cond3A_290 = arith.constant 0 : i32
      %cond3A_291 = arith.cmpi ne, %convert_element_type3A_289, %cond3A_290 : i32
      scf.if %cond3A_291 {
        %dma_start3A_292 = arith.constant 0 : i32
        %dma_start3A_293 = tpu.memref_slice %arg13[%add3A_260, %dma_start3A_292] : memref<125x40xi32, #tpu.memory_space<vmem>> -> memref<1x40xi32, #tpu.memory_space<vmem>>
        %dma_start3A_294 = tpu.memref_squeeze %dma_start3A_293 : memref<1x40xi32, #tpu.memory_space<vmem>> -> memref<40xi32, #tpu.memory_space<vmem>>
        %dma_start3A_295 = arith.constant 0 : i32
        %dma_start3A_296 = arith.constant 0 : i32
        %dma_start3A_297 = tpu.memref_slice %arg21[%dma_start3A_295, %dma_start3A_296] : memref<10000x16xf32, #tpu.memory_space<vmem_shared>> -> memref<10000x16xf32, #tpu.memory_space<vmem_shared>>
        tpu.enqueue_indirect_dma source(%arg14 : memref<40x16xf32, #tpu.memory_space<vmem>>) target(%dma_start3A_297 : memref<10000x16xf32, #tpu.memory_space<vmem_shared>>) offsets(%dma_start3A_294 : memref<40xi32, #tpu.memory_space<vmem>>) semaphore(%arg36 : memref<!tpu.dma_semaphore, #tpu.memory_space<semaphore_mem>>) {add = true}
      } else {
      }
    }
    %scan3A_106 = arith.constant 25 : i32
    %dma_wait3A_107 = arith.constant 0 : i32
    %dma_wait3A_108 = arith.constant 0 : i32
    %dma_wait3A_109 = tpu.memref_slice %arg2[%dma_wait3A_107, %dma_wait3A_108] : memref<10000x128xf32, #tpu.memory_space<hbm>> -> memref<40x128xf32, #tpu.memory_space<hbm>>
    %dma_wait3A_110 = arith.constant 0 : i32
    %dma_wait3A_111 = arith.constant 0 : i32
    %dma_wait3A_112 = tpu.memref_slice %arg2[%dma_wait3A_110, %dma_wait3A_111] : memref<10000x128xf32, #tpu.memory_space<hbm>> -> memref<40x128xf32, #tpu.memory_space<hbm>>
    tpu.wait_dma2 semaphore(%arg31 : memref<!tpu.dma_semaphore, #tpu.memory_space<semaphore_mem>>) src(%dma_wait3A_112 : memref<40x128xf32, #tpu.memory_space<hbm>>) dst(%arg19 : memref<40x128xf32, #tpu.memory_space<vmem>>)
    %eq3A_113 = arith.constant 0 : i32
    %eq3A_114 = arith.cmpi eq, %arg0, %eq3A_113 : i32
    %convert_element_type3A_115 = arith.extui %eq3A_114 : i1 to i32
    %cond3A_116 = arith.constant 0 : i32
    %cond3A_117 = arith.cmpi ne, %convert_element_type3A_115, %cond3A_116 : i32
    scf.if %cond3A_117 {
      tpu.wait_dma2 semaphore(%arg36 : memref<!tpu.dma_semaphore, #tpu.memory_space<semaphore_mem>>) src(%arg8 : memref<40x16xf32, #tpu.memory_space<hbm>>) dst(%arg14 : memref<40x16xf32, #tpu.memory_space<vmem>>)
    } else {
    }
    %barrier3A_118 = arith.constant 0 : index
    tpu.barrier barrier_id(%barrier3A_118)
    %eq3A_119 = arith.constant 0 : i32
    %eq3A_120 = arith.cmpi eq, %arg0, %eq3A_119 : i32
    %convert_element_type3A_121 = arith.extui %eq3A_120 : i1 to i32
    %cond3A_122 = arith.constant 0 : i32
    %cond3A_123 = arith.cmpi ne, %convert_element_type3A_121, %cond3A_122 : i32
    scf.if %cond3A_123 {
      %lt3A_129 = arith.constant 15 : i32
      %lt3A_130 = arith.cmpi slt, %arg1, %lt3A_129 : i32
      %convert_element_type3A_131 = arith.extui %lt3A_130 : i1 to i32
      %cond3A_132 = arith.constant 0 : i32
      %cond3A_133 = arith.cmpi ne, %convert_element_type3A_131, %cond3A_132 : i32
      scf.if %cond3A_133 {
        %mul3A = arith.constant 632 : i32
        %mul3A_149 = arith.muli %arg1, %mul3A : i32
        "tpu.region"() ({
          %run_scoped3A = tpu.sem_alloc : memref<!tpu.dma_semaphore, #tpu.memory_space<semaphore_mem>>
          %dma_start3A = arith.constant 0 : i32
          %dma_start3A_150 = tpu.memref_slice %arg9[%mul3A_149, %dma_start3A] : memref<10000x128xf32, #tpu.memory_space<hbm>> -> memref<632x128xf32, #tpu.memory_space<hbm>>
          %dma_start3A_151 = arith.constant 0 : i32
          %dma_start3A_152 = tpu.memref_slice %arg20[%mul3A_149, %dma_start3A_151] : memref<10000x128xf32, #tpu.memory_space<vmem_shared>> -> memref<632x128xf32, #tpu.memory_space<vmem_shared>>
          tpu.enqueue_dma source(%dma_start3A_152 : memref<632x128xf32, #tpu.memory_space<vmem_shared>>) target(%dma_start3A_150 : memref<632x128xf32, #tpu.memory_space<hbm>>) target_semaphore(%run_scoped3A : memref<!tpu.dma_semaphore, #tpu.memory_space<semaphore_mem>>)
          %dma_wait3A_153 = arith.constant 0 : i32
          %dma_wait3A_154 = tpu.memref_slice %arg9[%mul3A_149, %dma_wait3A_153] : memref<10000x128xf32, #tpu.memory_space<hbm>> -> memref<632x128xf32, #tpu.memory_space<hbm>>
          %dma_wait3A_155 = arith.constant 0 : i32
          %dma_wait3A_156 = tpu.memref_slice %arg20[%mul3A_149, %dma_wait3A_155] : memref<10000x128xf32, #tpu.memory_space<vmem_shared>> -> memref<632x128xf32, #tpu.memory_space<vmem_shared>>
          tpu.wait_dma2 semaphore(%run_scoped3A : memref<!tpu.dma_semaphore, #tpu.memory_space<semaphore_mem>>) src(%dma_wait3A_156 : memref<632x128xf32, #tpu.memory_space<vmem_shared>>) dst(%dma_wait3A_154 : memref<632x128xf32, #tpu.memory_space<hbm>>)
          tpu.yield
        }) : () -> ()
      } else {
      }
      %eq3A_134 = arith.constant 15 : i32
      %eq3A_135 = arith.cmpi eq, %arg1, %eq3A_134 : i32
      %convert_element_type3A_136 = arith.extui %eq3A_135 : i1 to i32
      %cond3A_137 = arith.constant 0 : i32
      %cond3A_138 = arith.cmpi ne, %convert_element_type3A_136, %cond3A_137 : i32
      scf.if %cond3A_138 {
        "tpu.region"() ({
          %run_scoped3A = tpu.sem_alloc : memref<!tpu.dma_semaphore, #tpu.memory_space<semaphore_mem>>
          %dma_start3A = arith.constant 9480 : i32
          %dma_start3A_149 = arith.constant 0 : i32
          %dma_start3A_150 = tpu.memref_slice %arg9[%dma_start3A, %dma_start3A_149] : memref<10000x128xf32, #tpu.memory_space<hbm>> -> memref<520x128xf32, #tpu.memory_space<hbm>>
          %dma_start3A_151 = arith.constant 9480 : i32
          %dma_start3A_152 = arith.constant 0 : i32
          %dma_start3A_153 = tpu.memref_slice %arg20[%dma_start3A_151, %dma_start3A_152] : memref<10000x128xf32, #tpu.memory_space<vmem_shared>> -> memref<520x128xf32, #tpu.memory_space<vmem_shared>>
          tpu.enqueue_dma source(%dma_start3A_153 : memref<520x128xf32, #tpu.memory_space<vmem_shared>>) target(%dma_start3A_150 : memref<520x128xf32, #tpu.memory_space<hbm>>) target_semaphore(%run_scoped3A : memref<!tpu.dma_semaphore, #tpu.memory_space<semaphore_mem>>)
          %dma_wait3A_154 = arith.constant 9480 : i32
          %dma_wait3A_155 = arith.constant 0 : i32
          %dma_wait3A_156 = tpu.memref_slice %arg9[%dma_wait3A_154, %dma_wait3A_155] : memref<10000x128xf32, #tpu.memory_space<hbm>> -> memref<520x128xf32, #tpu.memory_space<hbm>>
          %dma_wait3A_157 = arith.constant 9480 : i32
          %dma_wait3A_158 = arith.constant 0 : i32
          %dma_wait3A_159 = tpu.memref_slice %arg20[%dma_wait3A_157, %dma_wait3A_158] : memref<10000x128xf32, #tpu.memory_space<vmem_shared>> -> memref<520x128xf32, #tpu.memory_space<vmem_shared>>
          tpu.wait_dma2 semaphore(%run_scoped3A : memref<!tpu.dma_semaphore, #tpu.memory_space<semaphore_mem>>) src(%dma_wait3A_159 : memref<520x128xf32, #tpu.memory_space<vmem_shared>>) dst(%dma_wait3A_156 : memref<520x128xf32, #tpu.memory_space<hbm>>)
          tpu.yield
        }) : () -> ()
      } else {
      }
      %lt3A_139 = arith.constant 15 : i32
      %lt3A_140 = arith.cmpi slt, %arg1, %lt3A_139 : i32
      %convert_element_type3A_141 = arith.extui %lt3A_140 : i1 to i32
      %cond3A_142 = arith.constant 0 : i32
      %cond3A_143 = arith.cmpi ne, %convert_element_type3A_141, %cond3A_142 : i32
      scf.if %cond3A_143 {
        %mul3A = arith.constant 632 : i32
        %mul3A_149 = arith.muli %arg1, %mul3A : i32
        "tpu.region"() ({
          %run_scoped3A = tpu.sem_alloc : memref<!tpu.dma_semaphore, #tpu.memory_space<semaphore_mem>>
          %dma_start3A = arith.constant 0 : i32
          %dma_start3A_150 = tpu.memref_slice %arg11[%mul3A_149, %dma_start3A] : memref<10000x16xf32, #tpu.memory_space<hbm>> -> memref<632x16xf32, #tpu.memory_space<hbm>>
          %dma_start3A_151 = arith.constant 0 : i32
          %dma_start3A_152 = tpu.memref_slice %arg21[%mul3A_149, %dma_start3A_151] : memref<10000x16xf32, #tpu.memory_space<vmem_shared>> -> memref<632x16xf32, #tpu.memory_space<vmem_shared>>
          tpu.enqueue_dma source(%dma_start3A_152 : memref<632x16xf32, #tpu.memory_space<vmem_shared>>) target(%dma_start3A_150 : memref<632x16xf32, #tpu.memory_space<hbm>>) target_semaphore(%run_scoped3A : memref<!tpu.dma_semaphore, #tpu.memory_space<semaphore_mem>>)
          %dma_wait3A_153 = arith.constant 0 : i32
          %dma_wait3A_154 = tpu.memref_slice %arg11[%mul3A_149, %dma_wait3A_153] : memref<10000x16xf32, #tpu.memory_space<hbm>> -> memref<632x16xf32, #tpu.memory_space<hbm>>
          %dma_wait3A_155 = arith.constant 0 : i32
          %dma_wait3A_156 = tpu.memref_slice %arg21[%mul3A_149, %dma_wait3A_155] : memref<10000x16xf32, #tpu.memory_space<vmem_shared>> -> memref<632x16xf32, #tpu.memory_space<vmem_shared>>
          tpu.wait_dma2 semaphore(%run_scoped3A : memref<!tpu.dma_semaphore, #tpu.memory_space<semaphore_mem>>) src(%dma_wait3A_156 : memref<632x16xf32, #tpu.memory_space<vmem_shared>>) dst(%dma_wait3A_154 : memref<632x16xf32, #tpu.memory_space<hbm>>)
          tpu.yield
        }) : () -> ()
      } else {
      }
      %eq3A_144 = arith.constant 15 : i32
      %eq3A_145 = arith.cmpi eq, %arg1, %eq3A_144 : i32
      %convert_element_type3A_146 = arith.extui %eq3A_145 : i1 to i32
      %cond3A_147 = arith.constant 0 : i32
      %cond3A_148 = arith.cmpi ne, %convert_element_type3A_146, %cond3A_147 : i32
      scf.if %cond3A_148 {
        "tpu.region"() ({
          %run_scoped3A = tpu.sem_alloc : memref<!tpu.dma_semaphore, #tpu.memory_space<semaphore_mem>>
          %dma_start3A = arith.constant 9480 : i32
          %dma_start3A_149 = arith.constant 0 : i32
          %dma_start3A_150 = tpu.memref_slice %arg11[%dma_start3A, %dma_start3A_149] : memref<10000x16xf32, #tpu.memory_space<hbm>> -> memref<520x16xf32, #tpu.memory_space<hbm>>
          %dma_start3A_151 = arith.constant 9480 : i32
          %dma_start3A_152 = arith.constant 0 : i32
          %dma_start3A_153 = tpu.memref_slice %arg21[%dma_start3A_151, %dma_start3A_152] : memref<10000x16xf32, #tpu.memory_space<vmem_shared>> -> memref<520x16xf32, #tpu.memory_space<vmem_shared>>
          tpu.enqueue_dma source(%dma_start3A_153 : memref<520x16xf32, #tpu.memory_space<vmem_shared>>) target(%dma_start3A_150 : memref<520x16xf32, #tpu.memory_space<hbm>>) target_semaphore(%run_scoped3A : memref<!tpu.dma_semaphore, #tpu.memory_space<semaphore_mem>>)
          %dma_wait3A_154 = arith.constant 9480 : i32
          %dma_wait3A_155 = arith.constant 0 : i32
          %dma_wait3A_156 = tpu.memref_slice %arg11[%dma_wait3A_154, %dma_wait3A_155] : memref<10000x16xf32, #tpu.memory_space<hbm>> -> memref<520x16xf32, #tpu.memory_space<hbm>>
          %dma_wait3A_157 = arith.constant 9480 : i32
          %dma_wait3A_158 = arith.constant 0 : i32
          %dma_wait3A_159 = tpu.memref_slice %arg21[%dma_wait3A_157, %dma_wait3A_158] : memref<10000x16xf32, #tpu.memory_space<vmem_shared>> -> memref<520x16xf32, #tpu.memory_space<vmem_shared>>
          tpu.wait_dma2 semaphore(%run_scoped3A : memref<!tpu.dma_semaphore, #tpu.memory_space<semaphore_mem>>) src(%dma_wait3A_159 : memref<520x16xf32, #tpu.memory_space<vmem_shared>>) dst(%dma_wait3A_156 : memref<520x16xf32, #tpu.memory_space<hbm>>)
          tpu.yield
        }) : () -> ()
      } else {
      }
    } else {
    }
    %eq3A_124 = arith.constant 1 : i32
    %eq3A_125 = arith.cmpi eq, %arg0, %eq3A_124 : i32
    %convert_element_type3A_126 = arith.extui %eq3A_125 : i1 to i32
    %cond3A_127 = arith.constant 0 : i32
    %cond3A_128 = arith.cmpi ne, %convert_element_type3A_126, %cond3A_127 : i32
    scf.if %cond3A_128 {
      %lt3A_129 = arith.constant 15 : i32
      %lt3A_130 = arith.cmpi slt, %arg1, %lt3A_129 : i32
      %convert_element_type3A_131 = arith.extui %lt3A_130 : i1 to i32
      %cond3A_132 = arith.constant 0 : i32
      %cond3A_133 = arith.cmpi ne, %convert_element_type3A_131, %cond3A_132 : i32
      scf.if %cond3A_133 {
        %mul3A = arith.constant 632 : i32
        %mul3A_139 = arith.muli %arg1, %mul3A : i32
        "tpu.region"() ({
          %run_scoped3A = tpu.sem_alloc : memref<!tpu.dma_semaphore, #tpu.memory_space<semaphore_mem>>
          %dma_start3A = arith.constant 0 : i32
          %dma_start3A_140 = tpu.memref_slice %arg10[%mul3A_139, %dma_start3A] : memref<10000x128xf32, #tpu.memory_space<hbm>> -> memref<632x128xf32, #tpu.memory_space<hbm>>
          %dma_start3A_141 = arith.constant 0 : i32
          %dma_start3A_142 = tpu.memref_slice %arg20[%mul3A_139, %dma_start3A_141] : memref<10000x128xf32, #tpu.memory_space<vmem_shared>> -> memref<632x128xf32, #tpu.memory_space<vmem_shared>>
          tpu.enqueue_dma source(%dma_start3A_142 : memref<632x128xf32, #tpu.memory_space<vmem_shared>>) target(%dma_start3A_140 : memref<632x128xf32, #tpu.memory_space<hbm>>) target_semaphore(%run_scoped3A : memref<!tpu.dma_semaphore, #tpu.memory_space<semaphore_mem>>)
          %dma_wait3A_143 = arith.constant 0 : i32
          %dma_wait3A_144 = tpu.memref_slice %arg10[%mul3A_139, %dma_wait3A_143] : memref<10000x128xf32, #tpu.memory_space<hbm>> -> memref<632x128xf32, #tpu.memory_space<hbm>>
          %dma_wait3A_145 = arith.constant 0 : i32
          %dma_wait3A_146 = tpu.memref_slice %arg20[%mul3A_139, %dma_wait3A_145] : memref<10000x128xf32, #tpu.memory_space<vmem_shared>> -> memref<632x128xf32, #tpu.memory_space<vmem_shared>>
          tpu.wait_dma2 semaphore(%run_scoped3A : memref<!tpu.dma_semaphore, #tpu.memory_space<semaphore_mem>>) src(%dma_wait3A_146 : memref<632x128xf32, #tpu.memory_space<vmem_shared>>) dst(%dma_wait3A_144 : memref<632x128xf32, #tpu.memory_space<hbm>>)
          tpu.yield
        }) : () -> ()
      } else {
      }
      %eq3A_134 = arith.constant 15 : i32
      %eq3A_135 = arith.cmpi eq, %arg1, %eq3A_134 : i32
      %convert_element_type3A_136 = arith.extui %eq3A_135 : i1 to i32
      %cond3A_137 = arith.constant 0 : i32
      %cond3A_138 = arith.cmpi ne, %convert_element_type3A_136, %cond3A_137 : i32
      scf.if %cond3A_138 {
        "tpu.region"() ({
          %run_scoped3A = tpu.sem_alloc : memref<!tpu.dma_semaphore, #tpu.memory_space<semaphore_mem>>
          %dma_start3A = arith.constant 9480 : i32
          %dma_start3A_139 = arith.constant 0 : i32
          %dma_start3A_140 = tpu.memref_slice %arg10[%dma_start3A, %dma_start3A_139] : memref<10000x128xf32, #tpu.memory_space<hbm>> -> memref<520x128xf32, #tpu.memory_space<hbm>>
          %dma_start3A_141 = arith.constant 9480 : i32
          %dma_start3A_142 = arith.constant 0 : i32
          %dma_start3A_143 = tpu.memref_slice %arg20[%dma_start3A_141, %dma_start3A_142] : memref<10000x128xf32, #tpu.memory_space<vmem_shared>> -> memref<520x128xf32, #tpu.memory_space<vmem_shared>>
          tpu.enqueue_dma source(%dma_start3A_143 : memref<520x128xf32, #tpu.memory_space<vmem_shared>>) target(%dma_start3A_140 : memref<520x128xf32, #tpu.memory_space<hbm>>) target_semaphore(%run_scoped3A : memref<!tpu.dma_semaphore, #tpu.memory_space<semaphore_mem>>)
          %dma_wait3A_144 = arith.constant 9480 : i32
          %dma_wait3A_145 = arith.constant 0 : i32
          %dma_wait3A_146 = tpu.memref_slice %arg10[%dma_wait3A_144, %dma_wait3A_145] : memref<10000x128xf32, #tpu.memory_space<hbm>> -> memref<520x128xf32, #tpu.memory_space<hbm>>
          %dma_wait3A_147 = arith.constant 9480 : i32
          %dma_wait3A_148 = arith.constant 0 : i32
          %dma_wait3A_149 = tpu.memref_slice %arg20[%dma_wait3A_147, %dma_wait3A_148] : memref<10000x128xf32, #tpu.memory_space<vmem_shared>> -> memref<520x128xf32, #tpu.memory_space<vmem_shared>>
          tpu.wait_dma2 semaphore(%run_scoped3A : memref<!tpu.dma_semaphore, #tpu.memory_space<semaphore_mem>>) src(%dma_wait3A_149 : memref<520x128xf32, #tpu.memory_space<vmem_shared>>) dst(%dma_wait3A_146 : memref<520x128xf32, #tpu.memory_space<hbm>>)
          tpu.yield
        }) : () -> ()
      } else {
      }
    } else {
    }
    return
  }
}

module attributes {stable_mosaic.version = 14 : i64} {
  func.func @body(%arg0: memref<10000x128xf32, #tpu.memory_space<vmem>>, %arg1: memref<10000x128xf32, #tpu.memory_space<vmem>>, %arg2: memref<10000x16xf32, #tpu.memory_space<vmem>>, %arg3: memref<10000x256xf32, #tpu.memory_space<vmem>>, %arg4: memref<256x256xf32, #tpu.memory_space<vmem>>, %arg5: memref<1x256xf32, #tpu.memory_space<vmem>>, %arg6: memref<1x256xf32, #tpu.memory_space<vmem>>, %arg7: memref<10000x256xf32, #tpu.memory_space<vmem>>) attributes {dimension_semantics = [], scalar_prefetch = 0 : i64, scratch_operands = 0 : i64, tpu.core_type = #tpu.core_type<tc>} {
    %get3A = arith.constant 0 : index
    %get3A_0 = arith.constant 0 : index
    %get3A_1 = vector.load %arg2[%get3A, %get3A_0] : memref<10000x16xf32, #tpu.memory_space<vmem>>, vector<10000x1xf32>
    %max3A = arith.constant 1.000000e+00 : f32
    %max3A_2 = vector.broadcast %max3A : f32 to vector<10000x1xf32>
    %max3A_3 = arith.maximumf %get3A_1, %max3A_2 : vector<10000x1xf32>
    %div3A = arith.constant 1.000000e+00 : f32
    %div3A_4 = vector.broadcast %div3A : f32 to vector<10000x1xf32>
    %div3A_5 = arith.divf %div3A_4, %max3A_3 : vector<10000x1xf32>
    %get3A_6 = arith.constant 0 : index
    %get3A_7 = arith.constant 0 : index
    %get3A_8 = vector.load %arg0[%get3A_6, %get3A_7] : memref<10000x128xf32, #tpu.memory_space<vmem>>, vector<10000x128xf32>
    %mul3A = vector.broadcast %div3A_5 : vector<10000x1xf32> to vector<10000x128xf32>
    %mul3A_9 = arith.mulf %get3A_8, %mul3A : vector<10000x128xf32>
    %get3A_10 = arith.constant 0 : index
    %get3A_11 = arith.constant 0 : index
    %get3A_12 = vector.load %arg4[%get3A_10, %get3A_11] : memref<256x256xf32, #tpu.memory_space<vmem>>, vector<128x256xf32>
    %dot_general3A = arith.constant dense<0.000000e+00> : vector<10000x256xf32>
    %dot_general3A_13 = tpu.matmul %mul3A_9, %get3A_12, %dot_general3A {dimension_numbers = #tpu.dot_dimension_numbers<[1], [0], [0], [1], [0, 0, 1, 1], [], []>, transpose_lhs_hint = false} : vector<10000x128xf32>, vector<128x256xf32>, vector<10000x256xf32> -> vector<10000x256xf32>
    %get3A_14 = arith.constant 0 : index
    %get3A_15 = arith.constant 0 : index
    %get3A_16 = vector.load %arg1[%get3A_14, %get3A_15] : memref<10000x128xf32, #tpu.memory_space<vmem>>, vector<10000x128xf32>
    %mul3A_17 = vector.broadcast %div3A_5 : vector<10000x1xf32> to vector<10000x128xf32>
    %mul3A_18 = arith.mulf %get3A_16, %mul3A_17 : vector<10000x128xf32>
    %get3A_19 = arith.constant 128 : index
    %get3A_20 = arith.constant 0 : index
    %get3A_21 = vector.load %arg4[%get3A_19, %get3A_20] : memref<256x256xf32, #tpu.memory_space<vmem>>, vector<128x256xf32>
    %dot_general3A_22 = arith.constant dense<0.000000e+00> : vector<10000x256xf32>
    %dot_general3A_23 = tpu.matmul %mul3A_18, %get3A_21, %dot_general3A_22 {dimension_numbers = #tpu.dot_dimension_numbers<[1], [0], [0], [1], [0, 0, 1, 1], [], []>, transpose_lhs_hint = false} : vector<10000x128xf32>, vector<128x256xf32>, vector<10000x256xf32> -> vector<10000x256xf32>
    %add3A = arith.addf %dot_general3A_13, %dot_general3A_23 : vector<10000x256xf32>
    %get3A_24 = arith.constant 0 : index
    %get3A_25 = arith.constant 0 : index
    %get3A_26 = vector.load %arg3[%get3A_24, %get3A_25] : memref<10000x256xf32, #tpu.memory_space<vmem>>, vector<10000x256xf32>
    %add3A_27 = arith.addf %add3A, %get3A_26 : vector<10000x256xf32>
    %reduce_sum3A = arith.constant dense<0.000000e+00> : vector<256xf32>
    %reduce_sum3A_28 = vector.multi_reduction <add>, %add3A_27, %reduce_sum3A [0] : vector<10000x256xf32> to vector<256xf32>
    %broadcast_in_dim3A = vector.shape_cast %reduce_sum3A_28 : vector<256xf32> to vector<1x256xf32>
    %div3A_29 = arith.constant 1.000000e+04 : f32
    %div3A_30 = vector.broadcast %div3A_29 : f32 to vector<1x256xf32>
    %div3A_31 = arith.divf %broadcast_in_dim3A, %div3A_30 : vector<1x256xf32>
    %sub3A = vector.broadcast %div3A_31 : vector<1x256xf32> to vector<10000x256xf32>
    %sub3A_32 = arith.subf %add3A_27, %sub3A : vector<10000x256xf32>
    %integer_pow3A = arith.mulf %sub3A_32, %sub3A_32 : vector<10000x256xf32>
    %reduce_sum3A_33 = arith.constant dense<0.000000e+00> : vector<256xf32>
    %reduce_sum3A_34 = vector.multi_reduction <add>, %integer_pow3A, %reduce_sum3A_33 [0] : vector<10000x256xf32> to vector<256xf32>
    %broadcast_in_dim3A_35 = vector.shape_cast %reduce_sum3A_34 : vector<256xf32> to vector<1x256xf32>
    %div3A_36 = arith.constant 1.000000e+04 : f32
    %div3A_37 = vector.broadcast %div3A_36 : f32 to vector<1x256xf32>
    %div3A_38 = arith.divf %broadcast_in_dim3A_35, %div3A_37 : vector<1x256xf32>
    %sub3A_39 = vector.broadcast %div3A_31 : vector<1x256xf32> to vector<10000x256xf32>
    %sub3A_40 = arith.subf %add3A_27, %sub3A_39 : vector<10000x256xf32>
    %add3A_41 = arith.constant 9.99999974E-6 : f32
    %add3A_42 = vector.broadcast %add3A_41 : f32 to vector<1x256xf32>
    %add3A_43 = arith.addf %div3A_38, %add3A_42 : vector<1x256xf32>
    %rsqrt3A = math.rsqrt %add3A_43 : vector<1x256xf32>
    %mul3A_44 = vector.broadcast %rsqrt3A : vector<1x256xf32> to vector<10000x256xf32>
    %mul3A_45 = arith.mulf %sub3A_40, %mul3A_44 : vector<10000x256xf32>
    %get3A_46 = arith.constant 0 : index
    %get3A_47 = arith.constant 0 : index
    %get3A_48 = vector.load %arg5[%get3A_46, %get3A_47] : memref<1x256xf32, #tpu.memory_space<vmem>>, vector<1x256xf32>
    %mul3A_49 = vector.broadcast %get3A_48 : vector<1x256xf32> to vector<10000x256xf32>
    %mul3A_50 = arith.mulf %mul3A_45, %mul3A_49 : vector<10000x256xf32>
    %get3A_51 = arith.constant 0 : index
    %get3A_52 = arith.constant 0 : index
    %get3A_53 = vector.load %arg6[%get3A_51, %get3A_52] : memref<1x256xf32, #tpu.memory_space<vmem>>, vector<1x256xf32>
    %add3A_54 = vector.broadcast %get3A_53 : vector<1x256xf32> to vector<10000x256xf32>
    %add3A_55 = arith.addf %mul3A_50, %add3A_54 : vector<10000x256xf32>
    %max3A_56 = arith.constant 0.000000e+00 : f32
    %max3A_57 = vector.broadcast %max3A_56 : f32 to vector<10000x256xf32>
    %max3A_58 = arith.maximumf %add3A_55, %max3A_57 : vector<10000x256xf32>
    %swap3A = arith.constant 0 : index
    %swap3A_59 = arith.constant 0 : index
    %swap3A_60 = vector.load %arg7[%swap3A, %swap3A_59] : memref<10000x256xf32, #tpu.memory_space<vmem>>, vector<10000x256xf32>
    tpu.vector_store %arg7[%swap3A, %swap3A_59], %max3A_58 {strides = array<i32>} : memref<10000x256xf32, #tpu.memory_space<vmem>>, vector<10000x256xf32>,
    return
  }
}

</mosaic_0001>

<sc_bundles>
// kernel: kernel.4.cloned.1.call-start
scs
__scs_entry_jumppad:
0x0: {  	(pc) =	sbr.rel $0x88, $3  }
0x1: {  	(tag) =	ssettag $0x0;
	lr =	simm.s32 $0x1  }
0x2: {  	[smem:$0x3F9C] =	sst lr;
	_ =	strace $0xD0000000  }
0x3: {  	_ = 	snop  }
0x4: {  	_ = 	snop  }
0x5: {  	_ = 	snop  }
0x6: {  	_ = 	snop  }
0x7: {  	_ = 	snop  }
__scs_overlays_trampoline_lowered:
0x8: {  	[smem:$0x3FAB] =	sst s0  }
0x9: {  	[smem:$0x3FAC] =	sst s1  }
0xa: {  	[smem:$0x3FAD] =	sst s2  }
0xb: {  	[smem:$0x3FAE] =	sst s3  }
0xc: {  	[smem:$0x3FAF] =	sst s4  }
0xd: {  	[smem:$0x3FB0] =	sst s5  }
0xe: {  	[smem:$0x3FB1] =	sst s6  }
0xf: {  	[smem:$0x3FB2] =	sst s7  }
0x10: {  	[smem:$0x3FB3] =	sst s8  }
0x11: {  	[smem:$0x3FB4] =	sst s9;
	s0 =	simm.s32 @!p0 $0x0  }
0x12: {  	s1 =	sld [smem:$0x3F9A];
	s0 =	simm.s32 @p0 $0x1  }
0x13: {  	[smem:$0x3FB5] =	sst s0;
	s0 =	simm.s32 @!p1 $0x0  }
0x14: {  	s2 =	sld [smem:$0x3F99];
	s0 =	simm.s32 @p1 $0x1  }
0x15: {  	[smem:$0x3FB6] =	sst s0;
	s0 =	simm.s32 @!p2 $0x0  }
0x16: {  	s3 =	sld [smem:$0x3FDB];
	s0 =	simm.s32 @p2 $0x1  }
0x17: {  	s4 =	simm.s32 $0x1BF5;
	[smem:$0x3FB8] =	sst s0  }
0x18: {  	s0 =	sld [smem:$0x3F9B];
	_ =	swait.ge [sflag:s4], $0x0  }
0x19: {  	s7 =	sld [smem:$0x3F9C]  }
0x1a: {  	s8 =	sadd.s32 $0xFFFFE003, lr  }
0x1b: {  	s9 =	sadd.s32 $0xFFFFFEF7, lr;
	s5 =	simm.s32 $0xFFFFFFFF;
	p2 =	slt.u32 s8, $0xFFFFF086  }
0x1c: {  	p1 =	slt.u32 s9, $0xF7A;
	s5 =	simm.s32 @!p2 $0x0  }
0x1d: {  	s5 =	simm.s32 @p1 $0x1;
	p0 =	seq.s32 s7, s2  }
0x1e: {  	s7 =	smul.u32 @!p0 $0xF7A, s2;
	p2 =	seq.s32 @!p0 s5, $0x0  }
0x1f: {  	s9 =	smul.u32 $0xF7A, s1;
	s8 =	simm.s32 @!p0 $0x1BF5;
	p2 =	por !p2, p0  }
0x20: {  	[sflag:s8] =	ssyncset.s32 @!p0 $0xFFFFF086;
	s6 =	sadd.s32 @!p0 s3, s7;
	s7 =	simm.s32 @!p0 $0x108  }
0x21: {  	s3 =	sadd.s32 s3, s9;
	s6 =	sadd.s32 @!p0 $0x88, s6;
	s7 =	simm.s32 @p2 $0x1082  }
0x22: {  	[simem:s7], [sflag:s8] =	dma.local @!p0 [hbm:s6], $0xF7A  }
0x23: {  	s9 =	sor.u32 $0xD0000000, s2;
	s6 =	simm.s32 $0x108;
	_ =	swait.ge @!p0 [sflag:s8], $0x0  }
0x24: {  	s3 =	sadd.s32 $0x88, s3;
	s6 =	simm.s32 @!p1 $0x1082;
	[sflag:s4] =	ssyncset.s32 $0xFFFFF086  }
0x25: {  	[simem:s6], [sflag:s4] =	dma.local [hbm:s3], $0xF7A  }
0x26: {  	[smem:$0x3F9C] =	sst s1;
	(tag) =	ssettag s2;
	_ =	strace s9  }
0x27: {  	s1 =	sld [smem:$0x3FAC]  }
0x28: {  	s2 =	sld [smem:$0x3FAD]  }
0x29: {  	s4 =	sld [smem:$0x3FAF]  }
0x2a: {  	p0 =	seq.s32 s5, $0x0;
	s5 =	sld [smem:$0x3FB0]  }
0x2b: {  	s6 =	sld [smem:$0x3FB1]  }
0x2c: {  	s7 =	sld [smem:$0x3FB2]  }
0x2d: {  	s3 =	simm.s32 $0x108;
	s8 =	sld [smem:$0x3FB3]  }
0x2e: {  	s3 =	simm.s32 @!p0 $0x1082;
	s9 =	sld [smem:$0x3FB4]  }
0x2f: {  	lr =	sadd.s32 s0, s3;
	s0 =	sld [smem:$0x3FAB]  }
0x30: {  	s3 =	sld [smem:$0x3FAE]  }
0x31: {  	[smem:$0x3FB7] =	sst s10  }
0x32: {  	s10 =	sld [smem:$0x3FB5];
	_ =	sdelay $0x3  }
0x33: {  	p0 =	seq.s32 s10, $0x1;
	s10 =	sld [smem:$0x3FB7];
	_ =	sdelay $0x3  }
0x34: {  	[smem:$0x3FB7] =	sst s10  }
0x35: {  	s10 =	sld [smem:$0x3FB6];
	_ =	sdelay $0x3  }
0x36: {  	p1 =	seq.s32 s10, $0x1;
	s10 =	sld [smem:$0x3FB7];
	_ =	sdelay $0x3  }
0x37: {  	[smem:$0x3FB7] =	sst s10  }
0x38: {  	s10 =	sld [smem:$0x3FB8]  }
0x39: {  	_ = 	snop;
	(pc) =	sbr.ind lr, $3  }
0x3a: {  	_ = 	snop  }
0x3b: {  	_ = 	snop  }
0x3c: {  	p2 =	seq.s32 s10, $0x1;
	s10 =	sld [smem:$0x3FB7]  }
0x3d: {  	_ =	shalt  }
0x3e: {  	_ =	shalt  }
0x3f: {  	_ =	shalt  }
0x40: {  	_ =	shalt  }
0x41: {  	_ =	shalt  }
0x42: {  	_ =	shalt  }
0x43: {  	_ =	shalt  }
0x44: {  	_ =	shalt  }
0x45: {  	_ =	shalt  }
0x46: {  	_ =	shalt  }
0x47: {  	_ =	shalt  }
0x48: {  	_ =	shalt  }
0x49: {  	_ =	shalt  }
0x4a: {  	_ =	shalt  }
0x4b: {  	_ =	shalt  }
0x4c: {  	_ =	shalt  }
0x4d: {  	_ =	shalt  }
0x4e: {  	_ =	shalt  }
0x4f: {  	_ =	shalt  }
0x50: {  	_ =	shalt  }
0x51: {  	_ =	shalt  }
0x52: {  	_ =	shalt  }
0x53: {  	_ =	shalt  }
0x54: {  	_ =	shalt  }
0x55: {  	_ =	shalt  }
0x56: {  	_ =	shalt  }
0x57: {  	_ =	shalt  }
0x58: {  	_ =	shalt  }
0x59: {  	_ =	shalt  }
0x5a: {  	_ =	shalt  }
0x5b: {  	_ =	shalt  }
0x5c: {  	_ =	shalt  }
0x5d: {  	_ =	shalt  }
0x5e: {  	_ =	shalt  }
0x5f: {  	_ =	shalt  }
0x60: {  	_ =	shalt  }
0x61: {  	_ =	shalt  }
0x62: {  	_ =	shalt  }
0x63: {  	_ =	shalt  }
0x64: {  	_ =	shalt  }
0x65: {  	_ =	shalt  }
0x66: {  	_ =	shalt  }
0x67: {  	_ =	shalt  }
0x68: {  	_ =	shalt  }
0x69: {  	_ =	shalt  }
0x6a: {  	_ =	shalt  }
0x6b: {  	_ =	shalt  }
0x6c: {  	_ =	shalt  }
0x6d: {  	_ =	shalt  }
0x6e: {  	_ =	shalt  }
0x6f: {  	_ =	shalt  }
0x70: {  	_ =	shalt  }
0x71: {  	_ =	shalt  }
0x72: {  	_ =	shalt  }
0x73: {  	_ =	shalt  }
0x74: {  	_ =	shalt  }
0x75: {  	_ =	shalt  }
0x76: {  	_ =	shalt  }
0x77: {  	_ =	shalt  }
0x78: {  	_ =	shalt  }
0x79: {  	_ =	shalt  }
0x7a: {  	_ =	shalt  }
0x7b: {  	_ =	shalt  }
0x7c: {  	_ =	shalt  }
0x7d: {  	_ =	shalt  }
0x7e: {  	_ =	shalt  }
0x7f: {  	_ =	shalt  }
0x80: {  	_ =	shalt  }
0x81: {  	_ =	shalt  }
0x82: {  	_ =	shalt  }
0x83: {  	_ =	shalt  }
0x84: {  	_ =	shalt  }
0x85: {  	_ =	shalt  }
0x86: {  	_ =	shalt  }
0x87: {  	_ =	shalt  }
.Lfunc_end0:
.L_simem_size_0:
called_computation_lowered:
.L_overlay_start_0:
0x88: {  	s2 =	sld [smem:$0x3FD9]  }
0x89: {  	s3 =	sld [smem:$0x3FFE];
	_ =	sdelay $0x1  }
0x8a: {  	s1 =	srdreg.scid  }
0x8b: {  	s0 =	sand.u32 $0x1, s1  }
0x8c: {  	s17 =	sshll.u32 s0, $0xA;
	s2 =	sadd.s32 s3, s2  }
0x8d: {  	s2 =	sadd.s32 s2, s17  }
0x8e: {  	[smem:$0x3FC3] =	sst s2  }
0x8f: {  	_ = 	snop  }
0x90: {  	s2 =	sld [smem:$0x3FD0];
	(tm) =	ssettm $0x1  }
0x91: {  	s18 =	sld [smem:$0x3FFB];
	_ =	sdelay $0x3  }
0x92: {  	_ =	strace s18  }
0x93: {  	s3 =	sld [smem:$0x3FFC];
	_ =	sdelay $0x3  }
0x94: {  	_ =	strace s3  }
0x95: {  	s3 =	sld [smem:$0x3FFD];
	_ =	sdelay $0x3  }
0x96: {  	_ =	strace s3  }
0x97: {  	_ =	strace $0x8FFFFFFF  }
0x98: {  	s19 =	sld [smem:$0x3FDB];
	_ =	sdelay $0x1  }
0x99: {  	s4 =	simm.s32 $_scs_section_size  }
0x9a: {  	s5 =	simm.s32 $_size__tile_overlayer_lowered;
	s6 =	simm.s32 $_tile_overlayer_lowered  }
0x9b: {  	s22 =	simm.s32 $0x1BFF;
	s21 =	sshll.u32 s6, $0x1;
	s3 =	sadd.s32 s4, s19  }
0x9c: {  	s7 =	simm.s32 $0x0;
	s20 =	sshll.u32 s5, $0x1;
	s5 =	sadd.s32 s21, s3  }
0x9d: {  	[timem:s7], [sflag:s22] =	dma.local [hbm:s5], s20  }
0x9e: {  	_ =	swait.ge [sflag:s22], s20  }
0x9f: {  	s4 =	ssub.s32 $0x0, s20;
	[sflag:s22] =	ssyncset.done $0x0  }
0xa0: {  	[sflag:s22] =	ssyncadd.s32 s4;
	_ =	sdelay $0x1  }
0xa1: {  	s23 =	simm.s32 $0x1B8B  }
0xa2: {  	_ =	swait.ge [sflag:s23], $0x1  }
0xa3: {  	[sflag:s23] =	ssyncset.done $0x0  }
0xa4: {  	s25 =	simm.s32 $0x1B8E;
	s24 =	sld [smem:$0x3FFE];
	[sflag:s23] =	ssyncadd.s32 $0xFFFFFFFF  }
0xa5: {  	s26 =	simm.s32 $execute0_lowered;
	[smem:$0x3FD2] =	sst s25  }
0xa6: {  	s5 =	sshll.u32 s26, $0x1;
	_ =	strace $0x80000046;
	[dreg:$0x1] =	wrdreg $0xFFFFFFFF  }
0xa7: {  	s28 =	simm.s32 $_size_execute0_lowered;
	s3 =	sadd.s32 s3, s5;
	[dreg:$0x0] =	wrdreg $0x0  }
0xa8: {  	s5 =	sshll.u32 s28, $0x1;
	[dreg:$0x2] =	wrdreg s3  }
0xa9: {  	[dreg:$0x3] =	wrdreg s5  }
0xaa: {  	[dreg:$0x4] =	wrdreg $0xC0  }
0xab: {  	_ =	task [dreg:s7], $0x5FFFF  }
0xac: {  	[dreg:$0x1] =	wrdreg $0xFFFFFFFF  }
0xad: {  	[dreg:$0x0] =	wrdreg $0x60  }
0xae: {  	[dreg:$0x2] =	wrdreg s24  }
0xaf: {  	[dreg:$0x3] =	wrdreg s2  }
0xb0: {  	[dreg:$0x4] =	wrdreg $0x8D900  }
0xb1: {  	[dreg:$0x5] =	wrdreg $0x1C6100  }
0xb2: {  	[dreg:$0x6] =	wrdreg $0x9  }
0xb3: {  	_ =	task.clear_ibuf [dreg:s7], $0x7FFFF;
	_ =	strace $0x90000046  }
0xb4: {  	s29 =	simm.s32 $0x9;
	_ =	strace $0x80000048  }
0xb5: {  	_ =	swait.ge [sflag:s29], $0x1  }
0xb6: {  	[sflag:s29] =	ssyncadd.s32 $0xFFFFFFFF  }
0xb7: {  	_ =	strace $0x90000048  }
0xb8: {  	_ =	sfence  }
0xb9: {  	s30 =	sld [smem:$0x0];
	_ =	sdelay $0x2  }
0xba: {  	s31 =	sshll.u32 s1, $0xD;
	s1 =	sshrl.u32 s1, $0x2  }
0xbb: {  	s3 =	sand.u32 $0x4000, s31;
	s1 =	sadd.s32 s1, s30  }
0xbc: {  	s0 =	sor.u32 s3, s0;
	s1 =	sshll.u32 s1, $0x11  }
0xbd: {  	s0 =	sor.u32 s1, s0  }
0xbe: {  	s0 =	sadd.s32 $0x8F2B, s0  }
0xbf: {  	[sflag:s0] =	ssyncadd.remote.s32 $0x1  }
0xc0: {  	_ =	sfence.sel $0xFFFF  }
0xc1: {  	[dreg:$0x0] =	wrdreg $0xFFFFFFFF;
	(pc) =	sbr.abs _section_cstart, $3  }
0xc2: {  	[dreg:$0x1] =	wrdreg $0xFFFFFFFF  }
0xc3: {  	_ =	task.clear_ibuf [dreg:s7], $0x2FFFF;
	_ =	strace $0x9FFFFFFF  }
0xc4: {  	(tm) =	ssettm $0x7FFFFFFF  }
0xc5: {  	_ =	shalt  }
tec
execute0_lowered:
.L_overlay_start_1:
0x0: {  	(tag) =	ssettag $0x1  }
0x1: {  	s0 =	rddreg [dreg:$0x0]  }
0x2: {  	s1 =	rddreg [dreg:$0x1]  }
0x3: {  	s2 =	rddreg [dreg:$0x2]  }
0x4: {  	s3 =	rddreg [dreg:$0x3];
	s4 =	simm.s32 $0x0  }
0x5: {  	s28 =	stileid.u32;
	s10 =	srdreg.scid;
	s31 =	simm.s32 $0x28  }
0x6: {  	s30 =	simm.s32 $0x4;
	[smem:$0x7FF] =	sst s4;
	s6 =	sadd.s32 $0xAC00, s0  }
0x7: {  	s23 =	sadd.s32 $0x5C00, s0;
	s5 =	sadd.s32 $0xC00, s0;
	s7 =	smul.u32 $0x13C00, s28  }
0x8: {  	s8 =	sadd.s32 $0x32600, s0;
	s24 =	sadd.s32 $0x32000, s0;
	s12 =	smul.u32 $0x2710, s28  }
0x9: {  	s9 =	sadd.s32 $0x31E00, s0;
	s10 =	sand.u32 $0x1, s10;
	s16 =	smul.u32 $0x4F000, s28  }
0xa: {  	s17 =	smul.u32 $0x9E00, s28;
	_ =	strace $0x80000047;
	[dreg:$0x5] =	wrdreg s8  }
0xb: {  	s22 =	sadd.s32 $0x86080, s0;
	p2 =	seq.s32 s28, $0xF;
	[dreg:$0x6] =	wrdreg s24  }
0xc: {  	s29 =	sadd.s32 $0x25080, s3;
	s8 =	smul.u32 $0x2780, s28;
	[dreg:$0x7] =	wrdreg s9  }
0xd: {  	s13 =	ssub.s32 $0x2, s10;
	p0 =	seq.s32 s10, $0x0;
	[dreg:$0xe] =	wrdreg s22  }
0xe: {  	p1 =	sne.s32 s10, $0x0;
	s10 =	simm.s32 $0x8;
	s25 =	sshrl.u32 s7, $0x3  }
0xf: {  	s14 =	sshrl.u32 s13, $0x1;
	s15 =	sshrl.u32 s12, $0x3;
	s12 =	sadd.s32 $0x1388, s12  }
0x10: {  	s18 =	sshrl.u32 s16, $0x2;
	s21 =	sadd.s32 s7, s2;
	p3 =	seq.s32 @p1 s28, $0xF  }
0x11: {  	p6 =	seq.s32 @!p1 s28, $0xF;
	s16 =	simm.s32 $0x1;
	s7 =	simm.s32 $0xA  }
0x12: {  	s11 =	sshrl.u32 s8, $0x3;
	s9 =	sadd.s32 s25, s0;
	s13 =	ssub.s32 s13, s14  }
0x13: {  	s26 =	sadd.s32 s23, s15;
	s15 =	sadd.s32 s5, s15;
	s14 =	sshrl.u32 s17, $0x2  }
0x14: {  	s12 =	sshrl.u32 s12, $0x3;
	[dreg:$0xd] =	wrdreg s21;
	s25 =	sadd.s32 $0x5EE80, s0  }
0x15: {  	p4 =	por !p3, !p1;
	p5 =	por !p6, p1;
	p6 =	por p6, p1  }
0x16: {  	s17 =	simm.s32 $0x7990;
	s21 =	simm.s32 $0x3;
	[dreg:$0x8] =	wrdreg s26  }
0x17: {  	s11 =	sadd.s32 s11, s0;
	[dreg:$0x9] =	wrdreg s15;
	s15 =	sadd.s32 s18, s2  }
0x18: {  	s14 =	sadd.s32 s14, s3;
	s4 =	sadd.s32 s23, s12;
	[dreg:$0x11] =	wrdreg s25  }
0x19: {  	s19 =	sadd.s32 s5, s12;
	s20 =	sadd.s32 $0x61000, s9;
	[dreg:$0xa] =	wrdreg s4  }
0x1a: {  	s23 =	sadd.s32 $0x39E00, s9;
	s0 =	sadd.s32 $0x39810, s0;
	[dreg:$0xb] =	wrdreg s19  }
0x1b: {  	s26 =	smax.u32 s13, $0x1;
	s18 =	simm.s32 $0x2;
	[dreg:$0xc] =	wrdreg s20  }
0x1c: {  	s25 =	simm.s32 $0xD;
	s12 =	simm.s32 $0x5;
	[dreg:$0xf] =	wrdreg s23  }
0x1d: {  	s5 =	simm.s32 $0xE;
	s13 =	simm.s32 $0x0;
	[dreg:$0x12] =	wrdreg s0  }
0x1e: {  	s24 =	sadd.s32 $0x34E00, s11;
	s4 =	sadd.s32 s8, s3;
	[dreg:$0x13] =	wrdreg s26  }
0x1f: {  	s0 =	smov.u32 s1;
	s26 =	sadd.s32 $0x128400, s2;
	s19 =	simm.s32 $0x6  }
0x20: {  	s20 =	simm.s32 $0xB;
	[dreg:$0x10] =	wrdreg s24;
	s0 =	smov.u32 @p0 s6  }
0x21: {  	s23 =	simm.s32 $0x7;
	[dreg:$0x14] =	wrdreg s0;
	s0 =	sshrl.u32 @!p2 s15, $0x3  }
.Ltmp0:
0x22: {  	[dreg:$0x15] =	wrdreg s0;
	s0 =	sshrl.u32 @!p2 s14, $0x3;
	(pc) =	sbr.rel .LBB2_1-.Ltmp0, $4  }
0x23: {  	s8 =	smov.u32 s29;
	[dreg:$0x16] =	wrdreg s0;
	s0 =	simm.s32 @!p4 $0x0  }
0x24: {  	s24 =	simm.s32 $0xC;
	s14 =	simm.s32 $0x2710;
	s0 =	simm.s32 @p4 $0x1  }
0x25: {  	p4 =	por p3, !p1;
	[smem:$0x7FD] =	sst s0;
	s0 =	sshrl.u32 @!p6 s4, $0x3  }
0x26: {  	s4 =	simm.s32 $0x9;
	[dreg:$0x17] =	wrdreg s0;
	s0 =	simm.s32 $0x2990  }
.LBB2_19:
0x27: {  	_ =	swait.ge [sflag:s7], $0x1400  }
0x28: {  	[sflag:s7] =	ssyncset.done $0x0  }
0x29: {  	[sflag:s7] =	ssyncadd.s32 $0xFFFFEC00  }
0x2a: {  	[bflag:$0x0] =	sbarrier.arrive @p1 $0xFFFF  }
0x2b: {  	s9 =	sld [smem:$0x7FD];
	_ =	sdelay $0x2  }
0x2c: {  	p3 =	seq.s32 s9, $0x1  }
0x2d: {  	s15 =	rddreg [dreg:$0xe];
	s9 =	sshrl.u32 @!p3 s26, $0x3;
	s11 =	simm.s32 @!p3 $0x1FD0  }
0x2e: {  	[hbm:s15], [sflag:s11] =	dma.local @!p3 [spmem:s9], $0x2080  }
0x2f: {  	s9 =	simm.s32 @!p3 $0x10  }
0x30: {  	_ =	swait.ge @!p3 [sflag:s9], $0x2080  }
0x31: {  	s28 =	stileid.u32;
	s22 =	rddreg [dreg:$0xd]  }
0x32: {  	s11 =	sshll.u32 @!p4 s28, $0x6;
	[sflag:s9] =	ssyncset.done @!p3 $0x0;
	s15 =	rddreg [dreg:$0xc]  }
0x33: {  	[sflag:s9] =	ssyncadd.s32 @!p3 $0xFFFFDF80;
	s9 =	sor.u32 @!p4 $0x1C10, s11;
	s11 =	sshrl.u32 @!p4 s22, $0x3  }
0x34: {  	[hbm:s15], [sflag:s9] =	dma.local @!p4 [spmem:s11], $0x2780  }
0x35: {  	s9 =	simm.s32 @!p4 $0x10  }
0x36: {  	_ =	swait.ge @!p4 [sflag:s9], $0x2780  }
0x37: {  	[sflag:s9] =	ssyncset.done @!p4 $0x0  }
0x38: {  	[sflag:s9] =	ssyncadd.s32 @!p4 $0xFFFFD880;
	s9 =	simm.s32 @!p1 $0xF  }
0x39: {  	_ =	swait.ge @!p1 [sflag:s9], $0x280  }
0x3a: {  	[sflag:s9] =	ssyncset.done @!p1 $0x0  }
0x3b: {  	[sflag:s9] =	ssyncadd.s32 @!p1 $0xFFFFFD80  }
0x3c: {  	[bflag:$0x0] =	sbarrier.arrive @!p1 $0xFFFF  }
0x3d: {  	s11 =	simm.s32 @!p5 $0x1FD0;
	s9 =	sshrl.u32 @!p5 s26, $0x3;
	s15 =	rddreg [dreg:$0x11]  }
0x3e: {  	[hbm:s15], [sflag:s11] =	dma.local @!p5 [spmem:s9], $0x2080  }
0x3f: {  	s9 =	simm.s32 @!p5 $0x10  }
0x40: {  	_ =	swait.ge @!p5 [sflag:s9], $0x2080  }
0x41: {  	[sflag:s9] =	ssyncset.done @!p5 $0x0  }
0x42: {  	s15 =	sshrl.u32 @!p5 s29, $0x3;
	s26 =	rddreg [dreg:$0x12];
	[sflag:s9] =	ssyncadd.s32 @!p5 $0xFFFFDF80  }
0x43: {  	[hbm:s26], [sflag:s11] =	dma.local @!p5 [spmem:s15], $0x410  }
0x44: {  	_ =	swait.ge @!p5 [sflag:s9], $0x410  }
0x45: {  	s11 =	sshll.u32 @!p6 s28, $0x6;
	[sflag:s9] =	ssyncset.done @!p5 $0x0;
	s15 =	rddreg [dreg:$0xf]  }
0x46: {  	[sflag:s9] =	ssyncadd.s32 @!p5 $0xFFFFFBF0;
	s9 =	sor.u32 @!p6 $0x1C10, s11;
	s11 =	sshrl.u32 @!p6 s22, $0x3  }
0x47: {  	[hbm:s15], [sflag:s9] =	dma.local @!p6 [spmem:s11], $0x2780  }
0x48: {  	s11 =	simm.s32 @!p6 $0x10  }
0x49: {  	_ =	swait.ge @!p6 [sflag:s11], $0x2780  }
0x4a: {  	[sflag:s11] =	ssyncset.done @!p6 $0x0;
	s15 =	rddreg [dreg:$0x10]  }
0x4b: {  	s22 =	rddreg [dreg:$0x17];
	[sflag:s11] =	ssyncadd.s32 @!p6 $0xFFFFD880  }
0x4c: {  	[hbm:s15], [sflag:s9] =	dma.local @!p6 [spmem:s22], $0x4F0  }
0x4d: {  	_ =	swait.ge @!p6 [sflag:s11], $0x4F0  }
0x4e: {  	s15 =	rddreg [dreg:$0x18]  }
0x4f: {  	s26 =	smov.u32 s13;
	s22 =	rddreg [dreg:$0x13];
	s13 =	sadd.s32 $0x1, s15  }
0x50: {  	p3 =	sne.s32 s13, s22  }
.Ltmp1:
0x51: {  	_ = 	snop;
	(pc) =	sbr.rel @!p3 .LBB2_20-.Ltmp1, $3  }
0x52: {  	_ =	sdelay $0x1  }
0x53: {  	[sflag:s11] =	ssyncset.done @!p6 $0x0  }
0x54: {  	[sflag:s11] =	ssyncadd.s32 @!p6 $0xFFFFFB10  }
.LBB2_1:
0x55: {  	[dreg:$0x18] =	wrdreg s13  }
0x56: {  	s9 =	simm.s32 $0x0;
	s11 =	rddreg [dreg:$0x8];
	s13 =	simm.s32 $0x10  }
0x57: {  	[tilespmem:s9], [sflag:$0x10] =	stream.linear.gather [hbm4b:s11+s9], $0x1388, $0x38;
	[tilespmem:$0x1ED20] =	vst v63  }
0x58: {  	_ =	swait.ge [sflag:s13], $0x1388  }
0x59: {  	[sflag:s13] =	ssyncset.done $0x0  }
0x5a: {  	s15 =	simm.s32 $0x1388;
	s22 =	rddreg [dreg:$0x9];
	[sflag:s13] =	ssyncadd.s32 $0xFFFFEC78  }
0x5b: {  	[tilespmem:s15], [sflag:$0x10] =	stream.linear.gather [hbm4b:s22+s9], $0x1388, $0x38;
	[tilespmem:$0x1ED20] =	vst v63  }
0x5c: {  	_ =	swait.ge [sflag:s13], $0x1388  }
0x5d: {  	[sflag:s13] =	ssyncset.done $0x0  }
0x5e: {  	s11 =	rddreg [dreg:$0x14];
	[sflag:s13] =	ssyncadd.s32 $0xFFFFEC78  }
0x5f: {  	[tilespmem:s0], [sflag:$0x1] =	stream.indirect.gather [hbm4b:s11+s31], $0x80, s9, s31, $0xb8;
	[tilespmem:$0x1ED20] =	vst v63  }
0x60: {  	s22 =	simm.s32 $0x3D90  }
0x61: {  	[tilespmem:s22], [sflag:$0x2] =	stream.indirect.gather [hbm4b:s11+s31], $0x80, s31, s31, $0xb8;
	[tilespmem:$0x1ED20] =	vst v63  }
0x62: {  	s15 =	simm.s32 $0x50;
	s22 =	simm.s32 $0x5190  }
0x63: {  	[tilespmem:s22], [sflag:$0x3] =	stream.indirect.gather [hbm4b:s11+s31], $0x80, s15, s31, $0xb8;
	[tilespmem:$0x1ED20] =	vst v63  }
0x64: {  	s15 =	simm.s32 $0x78;
	s22 =	simm.s32 $0x6590  }
0x65: {  	[tilespmem:s22], [sflag:$0x4] =	stream.indirect.gather [hbm4b:s11+s31], $0x80, s15, s31, $0xb8;
	[tilespmem:$0x1ED20] =	vst v63  }
0x66: {  	s22 =	rddreg [dreg:$0x7]  }
0x67: {  	[tilespmem:s14], [sflag:$0x10] =	stream.linear.gather [hbm4b:s22+s9], $0x280, $0x38;
	[tilespmem:$0x1ED20] =	vst v63  }
0x68: {  	_ =	swait.ge [sflag:s13], $0x280  }
0x69: {  	s15 =	sshrl.u32 @p2 s26, $0x3;
	[sflag:s13] =	ssyncset.done $0x0  }
0x6a: {  	s22 =	simm.s32 @p2 $0x1FD0;
	s9 =	rddreg [dreg:$0x5];
	[sflag:s13] =	ssyncadd.s32 $0xFFFFFD80  }
0x6b: {  	[spmem:s15], [sflag:s22] =	dma.local @p2 [hbm:s9], $0x2080  }
0x6c: {  	s15 =	simm.s32 @p2 $0x10  }
0x6d: {  	_ =	swait.ge @p2 [sflag:s15], $0x2080  }
0x6e: {  	s13 =	smov.u32 s26;
	[sflag:s15] =	ssyncset.done @p2 $0x0  }
0x6f: {  	s26 =	sshrl.u32 @p2 s29, $0x3;
	s11 =	rddreg [dreg:$0x6];
	[sflag:s15] =	ssyncadd.s32 @p2 $0xFFFFDF80  }
0x70: {  	[spmem:s26], [sflag:s22] =	dma.local @p2 [hbm:s11], $0x410  }
0x71: {  	_ =	swait.ge @p2 [sflag:s15], $0x410  }
0x72: {  	s22 =	sshll.u32 @!p2 s28, $0x6;
	[sflag:s15] =	ssyncset.done @p2 $0x0  }
0x73: {  	[sflag:s15] =	ssyncadd.s32 @p2 $0xFFFFFBF0;
	s15 =	sor.u32 @!p2 $0x1C10, s22;
	s22 =	rddreg [dreg:$0x15]  }
0x74: {  	[spmem:s22], [sflag:s15] =	dma.local @!p2 [hbm:s9], $0x2780  }
0x75: {  	s22 =	simm.s32 @!p2 $0x10  }
0x76: {  	_ =	swait.ge @!p2 [sflag:s22], $0x2780  }
0x77: {  	[sflag:s22] =	ssyncset.done @!p2 $0x0  }
0x78: {  	s9 =	rddreg [dreg:$0x16];
	[sflag:s22] =	ssyncadd.s32 @!p2 $0xFFFFD880  }
0x79: {  	[spmem:s9], [sflag:s15] =	dma.local @!p2 [hbm:s11], $0x4F0  }
.Ltmp2:
0x7a: {  	_ =	swait.ge @!p2 [sflag:s22], $0x4F0;
	(pc) =	sbr.rel .LBB2_2-.Ltmp2, $4  }
0x7b: {  	[sflag:s22] =	ssyncset.done @!p2 $0x0  }
0x7c: {  	[sflag:s22] =	ssyncadd.s32 @!p2 $0xFFFFFB10  }
0x7d: {  	[bflag:$0x0] =	sbarrier.arrive $0xFFFF  }
0x7e: {  	s28 =	simm.s32 $0x0  }
.LBB2_6:
0x7f: {  	s9 =	simm.s32 $0xF  }
0x80: {  	_ =	swait.ge [sflag:s9], $0x280  }
0x81: {  	[sflag:s9] =	ssyncset.done $0x0  }
0x82: {  	s22 =	sadd.s32 $0x280, s28;
	s15 =	smov.u32 s28;
	[sflag:s9] =	ssyncadd.s32 $0xFFFFFD80  }
.LBB2_8:
0x83: {  	s22 =	sshra.s32 s22, $0x2;
	s26 =	sshra.s32 s15, $0x2  }
0x84: {  	[tilespmem:s17], [sflag:$0x5] =	stream.indirect.gather [hbm4b:s6+s31], $0x80, s22, s31, $0xb8;
	[tilespmem:$0x1ED20] =	vst v63  }
0x85: {  	s29 =	sadd.s32 $0x1388, s26  }
0x86: {  	[spmem:s2] =	stream.indirect.scatter.add.f32 [tilespmem:s0], [sflag:$0x6], $0x80, s29, s31, $0xb8;
	[tilespmem:$0x1ED20] =	vst v63  }
0x87: {  	_ = 	snop  }
0x88: {  	[spmem:s3] =	stream.indirect.scatter.add.f32 [tilespmem:s14], [sflag:$0xB], $0x10, s29, s31, $0xb8;
	[tilespmem:$0x1ED20] =	vst v63  }
0x89: {  	_ =	swait.ge [sflag:s18], $0x1400  }
0x8a: {  	[sflag:s18] =	ssyncset.done $0x0  }
0x8b: {  	[sflag:s18] =	ssyncadd.s32 $0xFFFFEC00  }
0x8c: {  	_ =	swait.ge [sflag:s19], $0x1400  }
0x8d: {  	[sflag:s19] =	ssyncset.done $0x0  }
0x8e: {  	[sflag:s19] =	ssyncadd.s32 $0xFFFFEC00  }
0x8f: {  	p3 =	seq.s32 s28, $0x4B00;
	_ =	swait.ge [sflag:s20], $0x280  }
0x90: {  	s15 =	sshra.s32 @!p3 s15, $0x2;
	s11 =	simm.s32 @!p3 $0x2990;
	[sflag:s20] =	ssyncset.done $0x0  }
0x91: {  	s9 =	sadd.s32 @!p3 $0xC8, s15;
	s29 =	simm.s32 @!p3 $0x28;
	[sflag:s20] =	ssyncadd.s32 $0xFFFFFD80  }
0x92: {  	[tilespmem:s11], [sflag:$0x1] =	stream.indirect.gather @!p3 [hbm4b:s6+s29], $0x80, s9, s29, $0xb8;
	[tilespmem:$0x1ED20] =	vst v63  }
0x93: {  	s9 =	sadd.s32 $0x13B0, s26;
	s11 =	simm.s32 $0x3D90  }
0x94: {  	[spmem:s2] =	stream.indirect.scatter.add.f32 [tilespmem:s11], [sflag:$0x7], $0x80, s9, s31, $0xb8;
	[tilespmem:$0x1ED20] =	vst v63  }
0x95: {  	_ = 	snop  }
0x96: {  	[spmem:s3] =	stream.indirect.scatter.add.f32 [tilespmem:s14], [sflag:$0xC], $0x10, s9, s31, $0xb8;
	[tilespmem:$0x1ED20] =	vst v63  }
0x97: {  	_ =	swait.ge [sflag:s21], $0x1400  }
0x98: {  	[sflag:s21] =	ssyncset.done $0x0  }
0x99: {  	[sflag:s21] =	ssyncadd.s32 $0xFFFFEC00  }
0x9a: {  	_ =	swait.ge [sflag:s23], $0x1400  }
0x9b: {  	[sflag:s23] =	ssyncset.done $0x0  }
0x9c: {  	[sflag:s23] =	ssyncadd.s32 $0xFFFFEC00  }
0x9d: {  	_ =	swait.ge [sflag:s24], $0x280  }
0x9e: {  	[sflag:s24] =	ssyncset.done $0x0  }
0x9f: {  	s11 =	simm.s32 @!p3 $0x3D90;
	s9 =	sadd.s32 @!p3 $0xF0, s15;
	[sflag:s24] =	ssyncadd.s32 $0xFFFFFD80  }
0xa0: {  	[tilespmem:s11], [sflag:$0x2] =	stream.indirect.gather @!p3 [hbm4b:s6+s29], $0x80, s9, s29, $0xb8;
	[tilespmem:$0x1ED20] =	vst v63  }
0xa1: {  	s9 =	sadd.s32 $0x13D8, s26;
	s11 =	simm.s32 $0x5190  }
0xa2: {  	[spmem:s2] =	stream.indirect.scatter.add.f32 [tilespmem:s11], [sflag:$0x8], $0x80, s9, s31, $0xb8;
	[tilespmem:$0x1ED20] =	vst v63  }
0xa3: {  	_ = 	snop  }
0xa4: {  	[spmem:s3] =	stream.indirect.scatter.add.f32 [tilespmem:s14], [sflag:$0xD], $0x10, s9, s31, $0xb8;
	[tilespmem:$0x1ED20] =	vst v63  }
0xa5: {  	_ =	swait.ge [sflag:s30], $0x1400  }
0xa6: {  	[sflag:s30] =	ssyncset.done $0x0  }
0xa7: {  	[sflag:s30] =	ssyncadd.s32 $0xFFFFEC00  }
0xa8: {  	_ =	swait.ge [sflag:s10], $0x1400  }
0xa9: {  	[sflag:s10] =	ssyncset.done $0x0  }
0xaa: {  	[sflag:s10] =	ssyncadd.s32 $0xFFFFEC00  }
0xab: {  	_ =	swait.ge [sflag:s25], $0x280  }
0xac: {  	[sflag:s25] =	ssyncset.done $0x0  }
0xad: {  	s11 =	simm.s32 @!p3 $0x5190;
	s9 =	sadd.s32 @!p3 $0x118, s15;
	[sflag:s25] =	ssyncadd.s32 $0xFFFFFD80  }
0xae: {  	[tilespmem:s11], [sflag:$0x3] =	stream.indirect.gather @!p3 [hbm4b:s6+s29], $0x80, s9, s29, $0xb8;
	[tilespmem:$0x1ED20] =	vst v63  }
0xaf: {  	s9 =	sadd.s32 $0x1400, s26;
	s26 =	simm.s32 $0x6590  }
0xb0: {  	[spmem:s2] =	stream.indirect.scatter.add.f32 [tilespmem:s26], [sflag:$0x9], $0x80, s9, s31, $0xb8;
	[tilespmem:$0x1ED20] =	vst v63  }
0xb1: {  	_ = 	snop  }
0xb2: {  	[spmem:s3] =	stream.indirect.scatter.add.f32 [tilespmem:s14], [sflag:$0xE], $0x10, s9, s31, $0xb8;
	[tilespmem:$0x1ED20] =	vst v63  }
0xb3: {  	_ =	swait.ge [sflag:s12], $0x1400  }
0xb4: {  	[sflag:s12] =	ssyncset.done $0x0  }
0xb5: {  	[sflag:s12] =	ssyncadd.s32 $0xFFFFEC00  }
0xb6: {  	_ =	swait.ge [sflag:s4], $0x1400  }
0xb7: {  	[sflag:s4] =	ssyncset.done $0x0  }
0xb8: {  	[sflag:s4] =	ssyncadd.s32 $0xFFFFEC00  }
0xb9: {  	_ =	swait.ge [sflag:s5], $0x280  }
0xba: {  	[sflag:s5] =	ssyncset.done $0x0  }
0xbb: {  	s11 =	simm.s32 @!p3 $0x6590;
	s9 =	sadd.s32 @!p3 $0x140, s15;
	[sflag:s5] =	ssyncadd.s32 $0xFFFFFD80  }
0xbc: {  	[tilespmem:s11], [sflag:$0x4] =	stream.indirect.gather @!p3 [hbm4b:s6+s29], $0x80, s9, s29, $0xb8;
	[tilespmem:$0x1ED20] =	vst v63  }
0xbd: {  	s29 =	sadd.s32 $0x1388, s22  }
0xbe: {  	[spmem:s2] =	stream.indirect.scatter.add.f32 [tilespmem:s17], [sflag:$0xA], $0x80, s29, s31, $0xb8;
	[tilespmem:$0x1ED20] =	vst v63  }
0xbf: {  	_ = 	snop  }
0xc0: {  	[spmem:s3] =	stream.indirect.scatter.add.f32 [tilespmem:s14], [sflag:$0xF], $0x10, s29, s31, $0xb8;
	[tilespmem:$0x1ED20] =	vst v63  }
.LBB2_9:
0xc1: {  	s28 =	sadd.s32 $0x320, s28  }
0xc2: {  	p3 =	sne.s32 s28, $0x4E20  }
.Ltmp3:
0xc3: {  	_ = 	snop;
	(pc) =	sbr.rel @!p3 .LBB2_10-.Ltmp3, $1  }
0xc4: {  	_ =	sdelay $0x3  }
.LBB2_2:
0xc5: {  	p3 =	seq.s32 s28, $0x0  }
.Ltmp4:
0xc6: {  	_ = 	snop;
	(pc) =	sbr.rel @p3 .LBB2_7-.Ltmp4, $4  }
0xc7: {  	_ = 	snop  }
0xc8: {  	_ =	swait.ge [sflag:s16], $0x1400  }
0xc9: {  	[sflag:s16] =	ssyncset.done $0x0  }
0xca: {  	[sflag:s16] =	ssyncadd.s32 $0xFFFFEC00  }
.Ltmp5:
0xcb: {  	(pc) =	sbr.rel @p0 .LBB2_6-.Ltmp5, $4  }
0xcc: {  	_ = 	snop  }
0xcd: {  	_ =	swait.ge [sflag:s7], $0x1400  }
0xce: {  	[sflag:s7] =	ssyncset.done $0x0  }
0xcf: {  	s22 =	sadd.s32 $0x280, s28;
	[sflag:s7] =	ssyncadd.s32 $0xFFFFEC00  }
.Ltmp6:
0xd0: {  	(pc) =	sbr.rel .LBB2_5-.Ltmp6, $2  }
0xd1: {  	_ =	sdelay $0x2  }
0xd2: {  	s15 =	smov.u32 s28  }
.LBB2_7:
.Ltmp7:
0xd3: {  	(pc) =	sbr.rel @!p1 .LBB2_8-.Ltmp7, $2  }
0xd4: {  	_ =	sdelay $0x2  }
0xd5: {  	s22 =	simm.s32 $0x280;
	s15 =	simm.s32 $0x0  }
.LBB2_5:
0xd6: {  	s26 =	sshra.s32 s22, $0x2;
	s22 =	sshra.s32 s15, $0x2  }
0xd7: {  	[tilespmem:s17], [sflag:$0x5] =	stream.indirect.gather [hbm4b:s1+s31], $0x80, s26, s31, $0xb8;
	[tilespmem:$0x1ED20] =	vst v63  }
0xd8: {  	s9 =	sadd.s32 $0x1388, s22  }
0xd9: {  	[spmem:s2] =	stream.indirect.scatter.add.f32 [tilespmem:s0], [sflag:$0x6], $0x80, s9, s31, $0xb8;
	[tilespmem:$0x1ED20] =	vst v63  }
0xda: {  	_ =	swait.ge [sflag:s18], $0x1400  }
0xdb: {  	[sflag:s18] =	ssyncset.done $0x0  }
0xdc: {  	[sflag:s18] =	ssyncadd.s32 $0xFFFFEC00  }
0xdd: {  	p3 =	seq.s32 s28, $0x4B00;
	_ =	swait.ge [sflag:s19], $0x1400  }
0xde: {  	s11 =	simm.s32 @p3 $0x28;
	[sflag:s19] =	ssyncset.done $0x0  }
0xdf: {  	s29 =	simm.s32 @p3 $0x3D90;
	s9 =	sadd.s32 @p3 $0x13B0, s22;
	[sflag:s19] =	ssyncadd.s32 $0xFFFFEC00  }
0xe0: {  	[spmem:s2] =	stream.indirect.scatter.add.f32 @p3 [tilespmem:s29], [sflag:$0x7], $0x80, s9, s11, $0xb8;
	[tilespmem:$0x1ED20] =	vst v63  }
0xe1: {  	s9 =	simm.s32 @p3 $0x3  }
0xe2: {  	_ =	swait.ge @p3 [sflag:s9], $0x1400  }
0xe3: {  	[sflag:s9] =	ssyncset.done @p3 $0x0  }
0xe4: {  	[sflag:s9] =	ssyncadd.s32 @p3 $0xFFFFEC00;
	s9 =	simm.s32 @p3 $0x7  }
0xe5: {  	_ =	swait.ge @p3 [sflag:s9], $0x1400  }
0xe6: {  	[sflag:s9] =	ssyncset.done @p3 $0x0  }
0xe7: {  	s29 =	simm.s32 @p3 $0x5190;
	[sflag:s9] =	ssyncadd.s32 @p3 $0xFFFFEC00;
	s9 =	sadd.s32 @p3 $0x13D8, s22  }
0xe8: {  	[spmem:s2] =	stream.indirect.scatter.add.f32 @p3 [tilespmem:s29], [sflag:$0x8], $0x80, s9, s11, $0xb8;
	[tilespmem:$0x1ED20] =	vst v63  }
0xe9: {  	s9 =	simm.s32 @p3 $0x4  }
0xea: {  	_ =	swait.ge @p3 [sflag:s9], $0x1400  }
0xeb: {  	[sflag:s9] =	ssyncset.done @p3 $0x0  }
0xec: {  	[sflag:s9] =	ssyncadd.s32 @p3 $0xFFFFEC00;
	s9 =	simm.s32 @p3 $0x8  }
0xed: {  	_ =	swait.ge @p3 [sflag:s9], $0x1400  }
0xee: {  	[sflag:s9] =	ssyncset.done @p3 $0x0  }
0xef: {  	s29 =	simm.s32 @p3 $0x6590;
	[sflag:s9] =	ssyncadd.s32 @p3 $0xFFFFEC00;
	s9 =	sadd.s32 @p3 $0x1400, s22  }
0xf0: {  	[spmem:s2] =	stream.indirect.scatter.add.f32 @p3 [tilespmem:s29], [sflag:$0x9], $0x80, s9, s11, $0xb8;
	[tilespmem:$0x1ED20] =	vst v63  }
0xf1: {  	s9 =	simm.s32 @p3 $0x5  }
0xf2: {  	_ =	swait.ge @p3 [sflag:s9], $0x1400  }
0xf3: {  	[sflag:s9] =	ssyncset.done @p3 $0x0  }
0xf4: {  	[sflag:s9] =	ssyncadd.s32 @p3 $0xFFFFEC00;
	s9 =	simm.s32 @p3 $0x9  }
0xf5: {  	_ =	swait.ge @p3 [sflag:s9], $0x1400  }
0xf6: {  	[sflag:s9] =	ssyncset.done @p3 $0x0  }
0xf7: {  	[sflag:s9] =	ssyncadd.s32 @p3 $0xFFFFEC00;
	s9 =	sshra.s32 @!p3 s15, $0x2  }
0xf8: {  	s29 =	simm.s32 @!p3 $0x2990;
	s15 =	simm.s32 @!p3 $0x28;
	s11 =	sadd.s32 @!p3 $0xC8, s9  }
0xf9: {  	[tilespmem:s29], [sflag:$0x1] =	stream.indirect.gather @!p3 [hbm4b:s1+s15], $0x80, s11, s15, $0xb8;
	[tilespmem:$0x1ED20] =	vst v63  }
0xfa: {  	s11 =	sadd.s32 @!p3 $0x13B0, s22;
	s29 =	simm.s32 @!p3 $0x3D90  }
0xfb: {  	[spmem:s2] =	stream.indirect.scatter.add.f32 @!p3 [tilespmem:s29], [sflag:$0x7], $0x80, s11, s15, $0xb8;
	[tilespmem:$0x1ED20] =	vst v63  }
0xfc: {  	s11 =	simm.s32 @!p3 $0x3  }
0xfd: {  	_ =	swait.ge @!p3 [sflag:s11], $0x1400  }
0xfe: {  	[sflag:s11] =	ssyncset.done @!p3 $0x0  }
0xff: {  	[sflag:s11] =	ssyncadd.s32 @!p3 $0xFFFFEC00;
	s11 =	simm.s32 @!p3 $0x7  }
0x100: {  	_ =	swait.ge @!p3 [sflag:s11], $0x1400  }
0x101: {  	[sflag:s11] =	ssyncset.done @!p3 $0x0  }
0x102: {  	[sflag:s11] =	ssyncadd.s32 @!p3 $0xFFFFEC00;
	s11 =	sadd.s32 @!p3 $0xF0, s9  }
0x103: {  	[tilespmem:s29], [sflag:$0x2] =	stream.indirect.gather @!p3 [hbm4b:s1+s15], $0x80, s11, s15, $0xb8;
	[tilespmem:$0x1ED20] =	vst v63  }
0x104: {  	s11 =	sadd.s32 @!p3 $0x13D8, s22;
	s29 =	simm.s32 @!p3 $0x5190  }
0x105: {  	[spmem:s2] =	stream.indirect.scatter.add.f32 @!p3 [tilespmem:s29], [sflag:$0x8], $0x80, s11, s15, $0xb8;
	[tilespmem:$0x1ED20] =	vst v63  }
0x106: {  	s11 =	simm.s32 @!p3 $0x4  }
0x107: {  	_ =	swait.ge @!p3 [sflag:s11], $0x1400  }
0x108: {  	[sflag:s11] =	ssyncset.done @!p3 $0x0  }
0x109: {  	[sflag:s11] =	ssyncadd.s32 @!p3 $0xFFFFEC00;
	s11 =	simm.s32 @!p3 $0x8  }
0x10a: {  	_ =	swait.ge @!p3 [sflag:s11], $0x1400  }
0x10b: {  	[sflag:s11] =	ssyncset.done @!p3 $0x0  }
0x10c: {  	[sflag:s11] =	ssyncadd.s32 @!p3 $0xFFFFEC00;
	s11 =	sadd.s32 @!p3 $0x118, s9  }
0x10d: {  	[tilespmem:s29], [sflag:$0x3] =	stream.indirect.gather @!p3 [hbm4b:s1+s15], $0x80, s11, s15, $0xb8;
	[tilespmem:$0x1ED20] =	vst v63  }
0x10e: {  	s11 =	sadd.s32 @!p3 $0x1400, s22;
	s22 =	simm.s32 @!p3 $0x6590  }
0x10f: {  	[spmem:s2] =	stream.indirect.scatter.add.f32 @!p3 [tilespmem:s22], [sflag:$0x9], $0x80, s11, s15, $0xb8;
	[tilespmem:$0x1ED20] =	vst v63  }
0x110: {  	s11 =	simm.s32 @!p3 $0x5  }
0x111: {  	_ =	swait.ge @!p3 [sflag:s11], $0x1400  }
0x112: {  	[sflag:s11] =	ssyncset.done @!p3 $0x0  }
0x113: {  	[sflag:s11] =	ssyncadd.s32 @!p3 $0xFFFFEC00;
	s11 =	simm.s32 @!p3 $0x9  }
0x114: {  	_ =	swait.ge @!p3 [sflag:s11], $0x1400  }
.Ltmp8:
0x115: {  	[sflag:s11] =	ssyncset.done @!p3 $0x0;
	(pc) =	sbr.rel .LBB2_9-.Ltmp8, $4  }
0x116: {  	s9 =	sadd.s32 @!p3 $0x140, s9;
	[sflag:s11] =	ssyncadd.s32 @!p3 $0xFFFFEC00  }
0x117: {  	[tilespmem:s22], [sflag:$0x4] =	stream.indirect.gather @!p3 [hbm4b:s1+s15], $0x80, s9, s15, $0xb8;
	[tilespmem:$0x1ED20] =	vst v63  }
0x118: {  	s29 =	sadd.s32 $0x1388, s26  }
0x119: {  	[spmem:s2] =	stream.indirect.scatter.add.f32 [tilespmem:s17], [sflag:$0xA], $0x80, s29, s31, $0xb8;
	[tilespmem:$0x1ED20] =	vst v63  }
.LBB2_10:
0x11a: {  	_ =	swait.ge [sflag:s7], $0x1400  }
0x11b: {  	[sflag:s7] =	ssyncset.done $0x0  }
0x11c: {  	s9 =	simm.s32 @!p1 $0xF;
	[sflag:s7] =	ssyncadd.s32 $0xFFFFEC00  }
0x11d: {  	_ =	swait.ge @!p1 [sflag:s9], $0x280  }
0x11e: {  	s28 =	simm.s32 $0x0;
	[sflag:s9] =	ssyncset.done @!p1 $0x0  }
0x11f: {  	s11 =	simm.s32 $0x10;
	s22 =	rddreg [dreg:$0xa];
	[sflag:s9] =	ssyncadd.s32 @!p1 $0xFFFFFD80  }
0x120: {  	[tilespmem:s28], [sflag:$0x10] =	stream.linear.gather [hbm4b:s22+s28], $0x1388, $0x38;
	[tilespmem:$0x1ED20] =	vst v63  }
0x121: {  	_ =	swait.ge [sflag:s11], $0x1388  }
0x122: {  	[sflag:s11] =	ssyncset.done $0x0  }
0x123: {  	s15 =	simm.s32 $0x1388;
	s26 =	rddreg [dreg:$0xb];
	[sflag:s11] =	ssyncadd.s32 $0xFFFFEC78  }
0x124: {  	[tilespmem:s15], [sflag:$0x10] =	stream.linear.gather [hbm4b:s26+s28], $0x1388, $0x38;
	[tilespmem:$0x1ED20] =	vst v63  }
0x125: {  	_ =	swait.ge [sflag:s11], $0x1388  }
0x126: {  	s9 =	smov.u32 s6;
	[sflag:s11] =	ssyncset.done $0x0  }
0x127: {  	s9 =	smov.u32 @p1 s1;
	[sflag:s11] =	ssyncadd.s32 $0xFFFFEC78  }
0x128: {  	[tilespmem:s0], [sflag:$0x1] =	stream.indirect.gather [hbm4b:s9+s31], $0x80, s28, s31, $0xb8;
	[tilespmem:$0x1ED20] =	vst v63  }
0x129: {  	s29 =	simm.s32 $0x3D90  }
0x12a: {  	[tilespmem:s29], [sflag:$0x2] =	stream.indirect.gather [hbm4b:s9+s31], $0x80, s31, s31, $0xb8;
	[tilespmem:$0x1ED20] =	vst v63  }
.Ltmp9:
0x12b: {  	_ = 	snop;
	(pc) =	sbr.rel .LBB2_11-.Ltmp9, $4  }
0x12c: {  	s22 =	simm.s32 $0x5190;
	s15 =	simm.s32 $0x50  }
0x12d: {  	[tilespmem:s22], [sflag:$0x3] =	stream.indirect.gather [hbm4b:s9+s31], $0x80, s15, s31, $0xb8;
	[tilespmem:$0x1ED20] =	vst v63  }
0x12e: {  	s26 =	simm.s32 $0x78;
	s29 =	simm.s32 $0x6590  }
0x12f: {  	[tilespmem:s29], [sflag:$0x4] =	stream.indirect.gather [hbm4b:s9+s31], $0x80, s26, s31, $0xb8;
	[tilespmem:$0x1ED20] =	vst v63  }
.LBB2_15:
0x130: {  	s9 =	simm.s32 $0xF  }
0x131: {  	_ =	swait.ge [sflag:s9], $0x280  }
0x132: {  	[sflag:s9] =	ssyncset.done $0x0  }
0x133: {  	s22 =	sadd.s32 $0x280, s28;
	s15 =	smov.u32 s28;
	[sflag:s9] =	ssyncadd.s32 $0xFFFFFD80  }
.LBB2_17:
0x134: {  	s22 =	sshra.s32 s22, $0x2;
	s26 =	sshra.s32 s15, $0x2  }
0x135: {  	[tilespmem:s17], [sflag:$0x5] =	stream.indirect.gather [hbm4b:s6+s31], $0x80, s22, s31, $0xb8;
	[tilespmem:$0x1ED20] =	vst v63  }
0x136: {  	s9 =	sadd.s32 $0x1388, s26  }
0x137: {  	[spmem:s2] =	stream.indirect.scatter.add.f32 [tilespmem:s0], [sflag:$0x6], $0x80, s9, s31, $0xb8;
	[tilespmem:$0x1ED20] =	vst v63  }
0x138: {  	_ = 	snop  }
0x139: {  	[spmem:s3] =	stream.indirect.scatter.add.f32 [tilespmem:s14], [sflag:$0xB], $0x10, s9, s31, $0xb8;
	[tilespmem:$0x1ED20] =	vst v63  }
0x13a: {  	_ =	swait.ge [sflag:s18], $0x1400  }
0x13b: {  	[sflag:s18] =	ssyncset.done $0x0  }
0x13c: {  	[sflag:s18] =	ssyncadd.s32 $0xFFFFEC00  }
0x13d: {  	_ =	swait.ge [sflag:s19], $0x1400  }
0x13e: {  	[sflag:s19] =	ssyncset.done $0x0  }
0x13f: {  	[sflag:s19] =	ssyncadd.s32 $0xFFFFEC00  }
0x140: {  	p3 =	seq.s32 s28, $0x4B00;
	_ =	swait.ge [sflag:s20], $0x280  }
0x141: {  	s15 =	sshra.s32 @!p3 s15, $0x2;
	s29 =	simm.s32 @!p3 $0x28;
	[sflag:s20] =	ssyncset.done $0x0  }
0x142: {  	s11 =	simm.s32 @!p3 $0x2990;
	s9 =	sadd.s32 @!p3 $0xC8, s15;
	[sflag:s20] =	ssyncadd.s32 $0xFFFFFD80  }
0x143: {  	[tilespmem:s11], [sflag:$0x1] =	stream.indirect.gather @!p3 [hbm4b:s6+s29], $0x80, s9, s29, $0xb8;
	[tilespmem:$0x1ED20] =	vst v63  }
0x144: {  	s9 =	sadd.s32 $0x13B0, s26;
	s11 =	simm.s32 $0x3D90  }
0x145: {  	[spmem:s2] =	stream.indirect.scatter.add.f32 [tilespmem:s11], [sflag:$0x7], $0x80, s9, s31, $0xb8;
	[tilespmem:$0x1ED20] =	vst v63  }
0x146: {  	_ = 	snop  }
0x147: {  	[spmem:s3] =	stream.indirect.scatter.add.f32 [tilespmem:s14], [sflag:$0xC], $0x10, s9, s31, $0xb8;
	[tilespmem:$0x1ED20] =	vst v63  }
0x148: {  	_ =	swait.ge [sflag:s21], $0x1400  }
0x149: {  	[sflag:s21] =	ssyncset.done $0x0  }
0x14a: {  	[sflag:s21] =	ssyncadd.s32 $0xFFFFEC00  }
0x14b: {  	_ =	swait.ge [sflag:s23], $0x1400  }
0x14c: {  	[sflag:s23] =	ssyncset.done $0x0  }
0x14d: {  	[sflag:s23] =	ssyncadd.s32 $0xFFFFEC00  }
0x14e: {  	_ =	swait.ge [sflag:s24], $0x280  }
0x14f: {  	[sflag:s24] =	ssyncset.done $0x0  }
0x150: {  	s11 =	simm.s32 @!p3 $0x3D90;
	s9 =	sadd.s32 @!p3 $0xF0, s15;
	[sflag:s24] =	ssyncadd.s32 $0xFFFFFD80  }
0x151: {  	[tilespmem:s11], [sflag:$0x2] =	stream.indirect.gather @!p3 [hbm4b:s6+s29], $0x80, s9, s29, $0xb8;
	[tilespmem:$0x1ED20] =	vst v63  }
0x152: {  	s9 =	sadd.s32 $0x13D8, s26;
	s11 =	simm.s32 $0x5190  }
0x153: {  	[spmem:s2] =	stream.indirect.scatter.add.f32 [tilespmem:s11], [sflag:$0x8], $0x80, s9, s31, $0xb8;
	[tilespmem:$0x1ED20] =	vst v63  }
0x154: {  	_ = 	snop  }
0x155: {  	[spmem:s3] =	stream.indirect.scatter.add.f32 [tilespmem:s14], [sflag:$0xD], $0x10, s9, s31, $0xb8;
	[tilespmem:$0x1ED20] =	vst v63  }
0x156: {  	_ =	swait.ge [sflag:s30], $0x1400  }
0x157: {  	[sflag:s30] =	ssyncset.done $0x0  }
0x158: {  	[sflag:s30] =	ssyncadd.s32 $0xFFFFEC00  }
0x159: {  	_ =	swait.ge [sflag:s10], $0x1400  }
0x15a: {  	[sflag:s10] =	ssyncset.done $0x0  }
0x15b: {  	[sflag:s10] =	ssyncadd.s32 $0xFFFFEC00  }
0x15c: {  	_ =	swait.ge [sflag:s25], $0x280  }
0x15d: {  	[sflag:s25] =	ssyncset.done $0x0  }
0x15e: {  	s11 =	simm.s32 @!p3 $0x5190;
	s9 =	sadd.s32 @!p3 $0x118, s15;
	[sflag:s25] =	ssyncadd.s32 $0xFFFFFD80  }
0x15f: {  	[tilespmem:s11], [sflag:$0x3] =	stream.indirect.gather @!p3 [hbm4b:s6+s29], $0x80, s9, s29, $0xb8;
	[tilespmem:$0x1ED20] =	vst v63  }
0x160: {  	s9 =	sadd.s32 $0x1400, s26;
	s26 =	simm.s32 $0x6590  }
0x161: {  	[spmem:s2] =	stream.indirect.scatter.add.f32 [tilespmem:s26], [sflag:$0x9], $0x80, s9, s31, $0xb8;
	[tilespmem:$0x1ED20] =	vst v63  }
0x162: {  	_ = 	snop  }
0x163: {  	[spmem:s3] =	stream.indirect.scatter.add.f32 [tilespmem:s14], [sflag:$0xE], $0x10, s9, s31, $0xb8;
	[tilespmem:$0x1ED20] =	vst v63  }
0x164: {  	_ =	swait.ge [sflag:s12], $0x1400  }
0x165: {  	[sflag:s12] =	ssyncset.done $0x0  }
0x166: {  	[sflag:s12] =	ssyncadd.s32 $0xFFFFEC00  }
0x167: {  	_ =	swait.ge [sflag:s4], $0x1400  }
0x168: {  	[sflag:s4] =	ssyncset.done $0x0  }
0x169: {  	[sflag:s4] =	ssyncadd.s32 $0xFFFFEC00  }
0x16a: {  	_ =	swait.ge [sflag:s5], $0x280  }
0x16b: {  	[sflag:s5] =	ssyncset.done $0x0  }
0x16c: {  	s11 =	simm.s32 @!p3 $0x6590;
	s9 =	sadd.s32 @!p3 $0x140, s15;
	[sflag:s5] =	ssyncadd.s32 $0xFFFFFD80  }
0x16d: {  	[tilespmem:s11], [sflag:$0x4] =	stream.indirect.gather @!p3 [hbm4b:s6+s29], $0x80, s9, s29, $0xb8;
	[tilespmem:$0x1ED20] =	vst v63  }
0x16e: {  	s26 =	sadd.s32 $0x1388, s22  }
0x16f: {  	[spmem:s2] =	stream.indirect.scatter.add.f32 [tilespmem:s17], [sflag:$0xA], $0x80, s26, s31, $0xb8;
	[tilespmem:$0x1ED20] =	vst v63  }
0x170: {  	_ = 	snop  }
0x171: {  	[spmem:s3] =	stream.indirect.scatter.add.f32 [tilespmem:s14], [sflag:$0xF], $0x10, s26, s31, $0xb8;
	[tilespmem:$0x1ED20] =	vst v63  }
0x172: {  	s29 =	smov.u32 s8;
	s26 =	smov.u32 s13  }
.LBB2_18:
0x173: {  	s28 =	sadd.s32 $0x320, s28  }
0x174: {  	p3 =	sne.s32 s28, $0x4E20  }
.Ltmp10:
0x175: {  	_ = 	snop;
	(pc) =	sbr.rel @!p3 .LBB2_19-.Ltmp10, $1  }
0x176: {  	_ =	sdelay $0x3  }
.LBB2_11:
0x177: {  	p3 =	seq.s32 s28, $0x0  }
.Ltmp11:
0x178: {  	_ = 	snop;
	(pc) =	sbr.rel @p3 .LBB2_16-.Ltmp11, $4  }
0x179: {  	_ = 	snop  }
0x17a: {  	_ =	swait.ge [sflag:s16], $0x1400  }
0x17b: {  	[sflag:s16] =	ssyncset.done $0x0  }
0x17c: {  	[sflag:s16] =	ssyncadd.s32 $0xFFFFEC00  }
.Ltmp12:
0x17d: {  	(pc) =	sbr.rel @p0 .LBB2_15-.Ltmp12, $4  }
0x17e: {  	_ = 	snop  }
0x17f: {  	_ =	swait.ge [sflag:s7], $0x1400  }
0x180: {  	[sflag:s7] =	ssyncset.done $0x0  }
0x181: {  	s22 =	sadd.s32 $0x280, s28;
	[sflag:s7] =	ssyncadd.s32 $0xFFFFEC00  }
.Ltmp13:
0x182: {  	(pc) =	sbr.rel .LBB2_14-.Ltmp13, $2  }
0x183: {  	_ =	sdelay $0x2  }
0x184: {  	s15 =	smov.u32 s28  }
.LBB2_16:
.Ltmp14:
0x185: {  	(pc) =	sbr.rel @!p1 .LBB2_17-.Ltmp14, $2  }
0x186: {  	_ =	sdelay $0x2  }
0x187: {  	s22 =	simm.s32 $0x280;
	s15 =	simm.s32 $0x0  }
.LBB2_14:
0x188: {  	s26 =	sshra.s32 s22, $0x2;
	s22 =	sshra.s32 s15, $0x2  }
0x189: {  	[tilespmem:s17], [sflag:$0x5] =	stream.indirect.gather [hbm4b:s1+s31], $0x80, s26, s31, $0xb8;
	[tilespmem:$0x1ED20] =	vst v63  }
0x18a: {  	s9 =	sadd.s32 $0x1388, s22  }
0x18b: {  	[spmem:s2] =	stream.indirect.scatter.add.f32 [tilespmem:s0], [sflag:$0x6], $0x80, s9, s31, $0xb8;
	[tilespmem:$0x1ED20] =	vst v63  }
0x18c: {  	_ =	swait.ge [sflag:s18], $0x1400  }
0x18d: {  	[sflag:s18] =	ssyncset.done $0x0  }
0x18e: {  	[sflag:s18] =	ssyncadd.s32 $0xFFFFEC00  }
0x18f: {  	p3 =	seq.s32 s28, $0x4B00;
	_ =	swait.ge [sflag:s19], $0x1400  }
0x190: {  	s11 =	simm.s32 @p3 $0x28;
	[sflag:s19] =	ssyncset.done $0x0  }
0x191: {  	s29 =	simm.s32 @p3 $0x3D90;
	s9 =	sadd.s32 @p3 $0x13B0, s22;
	[sflag:s19] =	ssyncadd.s32 $0xFFFFEC00  }
0x192: {  	[spmem:s2] =	stream.indirect.scatter.add.f32 @p3 [tilespmem:s29], [sflag:$0x7], $0x80, s9, s11, $0xb8;
	[tilespmem:$0x1ED20] =	vst v63  }
0x193: {  	s9 =	simm.s32 @p3 $0x3  }
0x194: {  	_ =	swait.ge @p3 [sflag:s9], $0x1400  }
0x195: {  	[sflag:s9] =	ssyncset.done @p3 $0x0  }
0x196: {  	[sflag:s9] =	ssyncadd.s32 @p3 $0xFFFFEC00;
	s9 =	simm.s32 @p3 $0x7  }
0x197: {  	_ =	swait.ge @p3 [sflag:s9], $0x1400  }
0x198: {  	[sflag:s9] =	ssyncset.done @p3 $0x0  }
0x199: {  	s29 =	simm.s32 @p3 $0x5190;
	[sflag:s9] =	ssyncadd.s32 @p3 $0xFFFFEC00;
	s9 =	sadd.s32 @p3 $0x13D8, s22  }
0x19a: {  	[spmem:s2] =	stream.indirect.scatter.add.f32 @p3 [tilespmem:s29], [sflag:$0x8], $0x80, s9, s11, $0xb8;
	[tilespmem:$0x1ED20] =	vst v63  }
0x19b: {  	s9 =	simm.s32 @p3 $0x4  }
0x19c: {  	_ =	swait.ge @p3 [sflag:s9], $0x1400  }
0x19d: {  	[sflag:s9] =	ssyncset.done @p3 $0x0  }
0x19e: {  	[sflag:s9] =	ssyncadd.s32 @p3 $0xFFFFEC00;
	s9 =	simm.s32 @p3 $0x8  }
0x19f: {  	_ =	swait.ge @p3 [sflag:s9], $0x1400  }
0x1a0: {  	[sflag:s9] =	ssyncset.done @p3 $0x0  }
0x1a1: {  	s29 =	simm.s32 @p3 $0x6590;
	[sflag:s9] =	ssyncadd.s32 @p3 $0xFFFFEC00;
	s9 =	sadd.s32 @p3 $0x1400, s22  }
0x1a2: {  	[spmem:s2] =	stream.indirect.scatter.add.f32 @p3 [tilespmem:s29], [sflag:$0x9], $0x80, s9, s11, $0xb8;
	[tilespmem:$0x1ED20] =	vst v63  }
0x1a3: {  	s9 =	simm.s32 @p3 $0x5  }
0x1a4: {  	_ =	swait.ge @p3 [sflag:s9], $0x1400  }
0x1a5: {  	[sflag:s9] =	ssyncset.done @p3 $0x0  }
0x1a6: {  	[sflag:s9] =	ssyncadd.s32 @p3 $0xFFFFEC00;
	s9 =	simm.s32 @p3 $0x9  }
0x1a7: {  	_ =	swait.ge @p3 [sflag:s9], $0x1400  }
0x1a8: {  	[sflag:s9] =	ssyncset.done @p3 $0x0  }
0x1a9: {  	[sflag:s9] =	ssyncadd.s32 @p3 $0xFFFFEC00;
	s9 =	sshra.s32 @!p3 s15, $0x2  }
0x1aa: {  	s29 =	simm.s32 @!p3 $0x2990;
	s15 =	simm.s32 @!p3 $0x28;
	s11 =	sadd.s32 @!p3 $0xC8, s9  }
0x1ab: {  	[tilespmem:s29], [sflag:$0x1] =	stream.indirect.gather @!p3 [hbm4b:s1+s15], $0x80, s11, s15, $0xb8;
	[tilespmem:$0x1ED20] =	vst v63  }
0x1ac: {  	s11 =	sadd.s32 @!p3 $0x13B0, s22;
	s29 =	simm.s32 @!p3 $0x3D90  }
0x1ad: {  	[spmem:s2] =	stream.indirect.scatter.add.f32 @!p3 [tilespmem:s29], [sflag:$0x7], $0x80, s11, s15, $0xb8;
	[tilespmem:$0x1ED20] =	vst v63  }
0x1ae: {  	s11 =	simm.s32 @!p3 $0x3  }
0x1af: {  	_ =	swait.ge @!p3 [sflag:s11], $0x1400  }
0x1b0: {  	[sflag:s11] =	ssyncset.done @!p3 $0x0  }
0x1b1: {  	[sflag:s11] =	ssyncadd.s32 @!p3 $0xFFFFEC00;
	s11 =	simm.s32 @!p3 $0x7  }
0x1b2: {  	_ =	swait.ge @!p3 [sflag:s11], $0x1400  }
0x1b3: {  	[sflag:s11] =	ssyncset.done @!p3 $0x0  }
0x1b4: {  	[sflag:s11] =	ssyncadd.s32 @!p3 $0xFFFFEC00;
	s11 =	sadd.s32 @!p3 $0xF0, s9  }
0x1b5: {  	[tilespmem:s29], [sflag:$0x2] =	stream.indirect.gather @!p3 [hbm4b:s1+s15], $0x80, s11, s15, $0xb8;
	[tilespmem:$0x1ED20] =	vst v63  }
0x1b6: {  	s11 =	sadd.s32 @!p3 $0x13D8, s22;
	s29 =	simm.s32 @!p3 $0x5190  }
0x1b7: {  	[spmem:s2] =	stream.indirect.scatter.add.f32 @!p3 [tilespmem:s29], [sflag:$0x8], $0x80, s11, s15, $0xb8;
	[tilespmem:$0x1ED20] =	vst v63  }
0x1b8: {  	s11 =	simm.s32 @!p3 $0x4  }
0x1b9: {  	_ =	swait.ge @!p3 [sflag:s11], $0x1400  }
0x1ba: {  	[sflag:s11] =	ssyncset.done @!p3 $0x0  }
0x1bb: {  	[sflag:s11] =	ssyncadd.s32 @!p3 $0xFFFFEC00;
	s11 =	simm.s32 @!p3 $0x8  }
0x1bc: {  	_ =	swait.ge @!p3 [sflag:s11], $0x1400  }
0x1bd: {  	[sflag:s11] =	ssyncset.done @!p3 $0x0  }
0x1be: {  	[sflag:s11] =	ssyncadd.s32 @!p3 $0xFFFFEC00;
	s11 =	sadd.s32 @!p3 $0x118, s9  }
0x1bf: {  	[tilespmem:s29], [sflag:$0x3] =	stream.indirect.gather @!p3 [hbm4b:s1+s15], $0x80, s11, s15, $0xb8;
	[tilespmem:$0x1ED20] =	vst v63  }
0x1c0: {  	s11 =	sadd.s32 @!p3 $0x1400, s22;
	s22 =	simm.s32 @!p3 $0x6590  }
0x1c1: {  	[spmem:s2] =	stream.indirect.scatter.add.f32 @!p3 [tilespmem:s22], [sflag:$0x9], $0x80, s11, s15, $0xb8;
	[tilespmem:$0x1ED20] =	vst v63  }
0x1c2: {  	s11 =	simm.s32 @!p3 $0x5  }
0x1c3: {  	_ =	swait.ge @!p3 [sflag:s11], $0x1400  }
0x1c4: {  	[sflag:s11] =	ssyncset.done @!p3 $0x0  }
0x1c5: {  	[sflag:s11] =	ssyncadd.s32 @!p3 $0xFFFFEC00;
	s11 =	simm.s32 @!p3 $0x9  }
0x1c6: {  	_ =	swait.ge @!p3 [sflag:s11], $0x1400  }
0x1c7: {  	[sflag:s11] =	ssyncset.done @!p3 $0x0  }
.Ltmp15:
0x1c8: {  	s9 =	sadd.s32 @!p3 $0x140, s9;
	[sflag:s11] =	ssyncadd.s32 @!p3 $0xFFFFEC00;
	(pc) =	sbr.rel .LBB2_18-.Ltmp15, $4  }
0x1c9: {  	[tilespmem:s22], [sflag:$0x4] =	stream.indirect.gather @!p3 [hbm4b:s1+s15], $0x80, s9, s15, $0xb8;
	[tilespmem:$0x1ED20] =	vst v63  }
0x1ca: {  	s26 =	sadd.s32 $0x1388, s26  }
0x1cb: {  	[spmem:s2] =	stream.indirect.scatter.add.f32 [tilespmem:s17], [sflag:$0xA], $0x80, s26, s31, $0xb8;
	[tilespmem:$0x1ED20] =	vst v63  }
0x1cc: {  	s29 =	smov.u32 s8;
	s26 =	smov.u32 s13  }
.LBB2_20:
0x1cd: {  	_ =	sfence.sel $0x180000  }
0x1ce: {  	[bflag:$0x0] =	sbarrier.arrive $0xFFFF  }
0x1cf: {  	_ =	strace $0x90000047  }
0x1d0: {  	[bflag:$0x2] =	sbarrier.arrive $0xFFFF  }
0x1d1: {  	p0 =	sne.s32 s28, $0x0;
	s0 =	rddreg [dreg:$0x4]  }
0x1d2: {  	s0 =	sadd.s32 @!p0 $0x100000, s0  }
0x1d3: {  	[sflag:s0] =	ssyncadd.tile.s32 @!p0 $0x1;
	_ =	shalt  }
.Lfunc_end2:
_tile_overlayer_lowered:
.L_overlay_start_2:
0x1d4: {  	(tag) =	ssettag $0x2  }
0x1d5: {  	s0 =	rddreg [dreg:$0x0];
	s2 =	stileid.u32  }
0x1d6: {  	s1 =	rddreg [dreg:$0x1];
	p0 =	sne.s32 s2, $0x0  }
0x1d7: {  	s3 =	rddreg [dreg:$0x2];
	[bflag:$0x3] =	sbarrier.arrive $0xFFFF;
	s2 =	simm.s32 @!p0 $0x1C10  }
0x1d8: {  	[timem:s3], [sflag:s2] =	dma.local @!p0 [hbm:s0], s1  }
0x1d9: {  	s0 =	simm.s32 @!p0 $0x10  }
0x1da: {  	_ =	swait.ge @!p0 [sflag:s0], s1  }
0x1db: {  	s1 =	ssub.s32 @!p0 $0x0, s1;
	[sflag:s0] =	ssyncset.done @!p0 $0x0  }
0x1dc: {  	[sflag:s0] =	ssyncadd.s32 @!p0 s1  }
0x1dd: {  	[bflag:$0x3] =	sbarrier.arrive $0xFFFF  }
0x1de: {  	_ =	shalt  }

</sc_bundles>
